<compile_context>
chip_gen: v7x
topology: tpu7x:2x2x1
jax: 0.10.2.dev20260603
libtpu: 0.0.44.dev20260713+nightly
codegen_flags: <defaults>
</compile_context>

<pallas_src>
import functools

import jax
import jax.numpy as jnp
from jax import lax
from jax.experimental import pallas as pl
from jax.experimental.pallas import tpu as pltpu
from jax.experimental.pallas import tpu_sc as plsc

VOCAB = 1000000
EMBED_DIM = 64
MAXLEN = 200
BATCH = 4096
OUTPUT_SIZE = 10

NUM_CORES = 2
NUM_SUBCORES = 16
NUM_WORKERS = NUM_CORES * NUM_SUBCORES
ROWS_PER_WORKER = BATCH // NUM_WORKERS
CHUNK_A = 128
CHUNK_B = MAXLEN - CHUNK_A
LANES = 16
MAXLEN_PAD = 256
VECS_PER_ROW = EMBED_DIM // LANES
UNROLL = 4


def _pool_body(idx_hbm, table_hbm, out_hbm, idx_v, rows_v, pooled_v, sem0, sem1):
    wid = lax.axis_index("s") * NUM_CORES + lax.axis_index("c")
    rbase = wid * ROWS_PER_WORKER

    pltpu.sync_copy(idx_hbm.at[pl.ds(rbase * MAXLEN, ROWS_PER_WORKER * MAXLEN)],
                    idx_v)

    sems = (sem0, sem1)

    def issue(r, slot):
        pltpu.async_copy(table_hbm.at[idx_v.at[pl.ds(r * MAXLEN, CHUNK_A)]],
                         rows_v.at[slot, pl.ds(0, CHUNK_A)], sems[slot])
        pltpu.async_copy(table_hbm.at[idx_v.at[pl.ds(r * MAXLEN + CHUNK_A, CHUNK_B)]],
                         rows_v.at[slot, pl.ds(CHUNK_A, CHUNK_B)], sems[slot])

    def wait_slot(slot):
        pltpu.make_async_copy(table_hbm.at[pl.ds(0, MAXLEN), :],
                              rows_v.at[slot], sems[slot]).wait()

    def accum(r, slot):
        def step(i, acc):
            base = i * UNROLL
            acc = list(acc)
            for u in range(UNROLL):
                row = base + u
                for d in range(VECS_PER_ROW):
                    acc[d] = acc[d] + rows_v[slot, row, pl.ds(d * LANES, LANES)]
            return tuple(acc)

        zero = jnp.zeros((LANES,), jnp.float32)
        acc = lax.fori_loop(0, MAXLEN // UNROLL, step, (zero,) * VECS_PER_ROW)
        scale = jnp.float32(1.0 / MAXLEN)
        for d in range(VECS_PER_ROW):
            pooled_v[r, pl.ds(d * LANES, LANES)] = acc[d] * scale

    issue(0, 0)
    issue(1, 1)

    def outer(i, carry):
        r0 = 2 * i
        for slot in range(2):
            r = r0 + slot
            wait_slot(slot)
            accum(r, slot)

            @pl.when(r + 2 < ROWS_PER_WORKER)
            def _():
                issue(r + 2, slot)
        return carry

    lax.fori_loop(0, ROWS_PER_WORKER // 2, outer, 0)

    pltpu.sync_copy(pooled_v,
                    out_hbm.at[pl.ds(wid * ROWS_PER_WORKER, ROWS_PER_WORKER), :])


_pool_call = pl.kernel(
    _pool_body,
    out_type=jax.ShapeDtypeStruct((BATCH, EMBED_DIM), jnp.float32),
    mesh=plsc.VectorSubcoreMesh(core_axis_name="c", subcore_axis_name="s",
                                num_cores=NUM_CORES, num_subcores=NUM_SUBCORES),
    scratch_types=[
        pltpu.VMEM((ROWS_PER_WORKER * MAXLEN,), jnp.int32),
        pltpu.VMEM((2, MAXLEN, EMBED_DIM), jnp.float32),
        pltpu.VMEM((ROWS_PER_WORKER, EMBED_DIM), jnp.float32),
        pltpu.SemaphoreType.DMA,
        pltpu.SemaphoreType.DMA,
    ],
    compiler_params=pltpu.CompilerParams(use_tc_tiling_on_sc=False),
)


def _dense_softmax_body(pooled_ref, w_ref, b_ref, out_ref):
    logits = jnp.dot(pooled_ref[...], w_ref[...],
                     preferred_element_type=jnp.float32) + b_ref[...]
    m = jnp.max(logits, axis=-1, keepdims=True)
    e = jnp.exp(logits - m)
    out_ref[...] = e / jnp.sum(e, axis=-1, keepdims=True)


_dense_call = pl.pallas_call(
    _dense_softmax_body,
    out_shape=jax.ShapeDtypeStruct((BATCH, 128), jnp.float32),
)


_RELAYOUT_COLS = 16384
_RELAYOUT_HALF = _RELAYOUT_COLS // 2
_RELAYOUT_SHIFT = 14
_RELAYOUT_GRID = -(-VOCAB // _RELAYOUT_COLS)
VOCAB_LIN = _RELAYOUT_GRID * _RELAYOUT_COLS


def _table_relayout_body(tt_ref, out_ref):
    out_ref[:, :EMBED_DIM] = tt_ref[:, :_RELAYOUT_HALF].T
    out_ref[:, EMBED_DIM:] = tt_ref[:, _RELAYOUT_HALF:].T


_table_relayout_call = pl.pallas_call(
    _table_relayout_body,
    grid=(_RELAYOUT_GRID,),
    in_specs=[pl.BlockSpec((EMBED_DIM, _RELAYOUT_COLS), lambda i: (0, i))],
    out_specs=pl.BlockSpec((_RELAYOUT_HALF, 128), lambda i: (i, 0)),
    out_shape=jax.ShapeDtypeStruct((VOCAB_LIN // 2, 128), jnp.float32),
)


def kernel(indices, table, W, b):
    v = jnp.clip(indices.astype(jnp.int32).reshape(-1), 0, VOCAB - 1)
    i_blk = v >> _RELAYOUT_SHIFT
    r_off = v & (_RELAYOUT_COLS - 1)
    idx_flat = ((((i_blk << (_RELAYOUT_SHIFT - 1)) | (r_off & (_RELAYOUT_HALF - 1)))
                 << 1) | (r_off >> (_RELAYOUT_SHIFT - 1)))
    table_lin = _table_relayout_call(table.T).reshape(VOCAB_LIN, EMBED_DIM)
    pooled = _pool_call(idx_flat, table_lin)
    w_pad = jnp.zeros((EMBED_DIM, 128), jnp.float32).at[:, :OUTPUT_SIZE].set(W)
    b_pad = jnp.full((1, 128), -1e30, jnp.float32).at[0, :OUTPUT_SIZE].set(b)
    probs_pad = _dense_call(pooled, w_pad, b_pad)
    return probs_pad[:, :OUTPUT_SIZE]

# --- scband reference (transcript-rebuilt; emitter-appended) ---
"""Pipeline reference for scband-fast-text-model-29128468201501 (READ-ONLY COPY).

The authoritative reference and input builder live on the scoring server;
editing this copy changes nothing except your own understanding.
"""

import jax, jax.numpy as jnp
import numpy as np

VOCAB = 1000000
EMBED_DIM = 64
MAXLEN = 200
BATCH = 4096
OUTPUT_SIZE = 10

def setup_inputs(seed: int = 0) -> dict:
    key = jax.random.key(seed)
    k_idx, k_tab, k_w, k_b = jax.random.split(key, 4)
    indices = jax.random.randint(k_idx, (BATCH, MAXLEN), 0, VOCAB, dtype=jnp.int64 if jax.config.jax_enable_x64 else jnp.int32)
    table = jax.random.normal(k_tab, (VOCAB, EMBED_DIM), dtype=jnp.float32) * 0.05
    W = jax.random.normal(k_w, (EMBED_DIM, OUTPUT_SIZE), dtype=jnp.float32) * (1.0 / np.sqrt(EMBED_DIM))
    b = jnp.zeros((OUTPUT_SIZE,), dtype=jnp.float32)
    return {"indices": indices, "table": table, "W": W, "b": b}

def reference(indices, table, W, b):
    # Embedding lookup: [B, L] -> [B, L, D]
    emb = jnp.take(table, indices, axis=0)
    # GlobalAveragePooling1D over sequence axis
    pooled = jnp.mean(emb, axis=1)
    # Dense with softmax activation
    logits = pooled @ W + b
    probs = jax.nn.softmax(logits, axis=-1)
    return probs

if __name__ == "__main__":
    import jax
    _d = setup_inputs()
    print(jax.jit(kernel)(*tuple(_d.values())))

</pallas_src>

<mosaic_0001>
#map = affine_map<(d0, d1) -> (0)>
#map1 = affine_map<(d0, d1) -> (0, 0)>
module attributes {stable_mosaic.version = 14 : i64} {
  func.func @_pool_body(%arg0: i32, %arg1: i32, %arg2: memref<819200xi32, #tpu.memory_space<hbm>>, %arg3: memref<1015808x64xf32, #tpu.memory_space<hbm>>, %arg4: memref<4096x64xf32, #tpu.memory_space<hbm>>, %arg5: memref<25600xi32, #tpu.memory_space<vmem>>, %arg6: memref<2x200x64xf32, #tpu.memory_space<vmem>>, %arg7: memref<128x64xf32, #tpu.memory_space<vmem>>, %arg8: memref<!tpu.dma_semaphore, #tpu.memory_space<semaphore_mem>>, %arg9: memref<!tpu.dma_semaphore, #tpu.memory_space<semaphore_mem>>) attributes {dimension_semantics = [#tpu.dimension_semantics<core_parallel>, #tpu.dimension_semantics<subcore_parallel>], iteration_bounds = array<i64: 2, 16>, scalar_prefetch = 0 : i64, scratch_operands = 5 : i64, tpu.core_type = #tpu.core_type<sc_vector_subcore>, window_params = [{transform_indices = #map}, {transform_indices = #map1}, {transform_indices = #map1}]} {
    %mul3A = arith.constant 2 : i32
    %mul3A_0 = arith.muli %arg1, %mul3A : i32
    %add3A = arith.addi %mul3A_0, %arg0 : i32
    %mul3A_1 = arith.constant 128 : i32
    %mul3A_2 = arith.muli %add3A, %mul3A_1 : i32
    %mul3A_3 = arith.constant 200 : i32
    %mul3A_4 = arith.muli %mul3A_2, %mul3A_3 : i32
    "tpu.region"() ({
      %run_scoped3A = tpu.sem_alloc : memref<!tpu.dma_semaphore, #tpu.memory_space<semaphore_mem>>
      %dma_start3A_51 = tpu.memref_slice %arg2[%mul3A_4] : memref<819200xi32, #tpu.memory_space<hbm>> -> memref<25600xi32, #tpu.memory_space<hbm>>
      %dma_start3A_52 = tpu.memref_slice %arg2[%mul3A_4] : memref<819200xi32, #tpu.memory_space<hbm>> -> memref<25600xi32, #tpu.memory_space<hbm>>
      tpu.enqueue_dma source(%dma_start3A_52 : memref<25600xi32, #tpu.memory_space<hbm>>) target(%arg5 : memref<25600xi32, #tpu.memory_space<vmem>>) target_semaphore(%run_scoped3A : memref<!tpu.dma_semaphore, #tpu.memory_space<semaphore_mem>>)
      %dma_wait3A = tpu.memref_slice %arg2[%mul3A_4] : memref<819200xi32, #tpu.memory_space<hbm>> -> memref<25600xi32, #tpu.memory_space<hbm>>
      %dma_wait3A_53 = tpu.memref_slice %arg2[%mul3A_4] : memref<819200xi32, #tpu.memory_space<hbm>> -> memref<25600xi32, #tpu.memory_space<hbm>>
      tpu.wait_dma2 semaphore(%run_scoped3A : memref<!tpu.dma_semaphore, #tpu.memory_space<semaphore_mem>>) src(%dma_wait3A_53 : memref<25600xi32, #tpu.memory_space<hbm>>) dst(%arg5 : memref<25600xi32, #tpu.memory_space<vmem>>)
      tpu.yield
    }) : () -> ()
    %dma_start3A = arith.constant 0 : i32
    %dma_start3A_5 = arith.constant 0 : i32
    %dma_start3A_6 = arith.constant 0 : i32
    %dma_start3A_7 = tpu.memref_slice %arg6[%dma_start3A, %dma_start3A_5, %dma_start3A_6] : memref<2x200x64xf32, #tpu.memory_space<vmem>> -> memref<1x128x64xf32, #tpu.memory_space<vmem>>
    %dma_start3A_8 = tpu.memref_squeeze %dma_start3A_7 : memref<1x128x64xf32, #tpu.memory_space<vmem>> -> memref<128x64xf32, #tpu.memory_space<vmem>>
    %dma_start3A_9 = arith.constant 0 : i32
    %dma_start3A_10 = tpu.memref_slice %arg5[%dma_start3A_9] : memref<25600xi32, #tpu.memory_space<vmem>> -> memref<128xi32, #tpu.memory_space<vmem>>
    %dma_start3A_11 = arith.constant 0 : i32
    %dma_start3A_12 = arith.constant 0 : i32
    %dma_start3A_13 = tpu.memref_slice %arg3[%dma_start3A_11, %dma_start3A_12] : memref<1015808x64xf32, #tpu.memory_space<hbm>> -> memref<1015808x64xf32, #tpu.memory_space<hbm>>
    tpu.enqueue_indirect_dma source(%dma_start3A_13 : memref<1015808x64xf32, #tpu.memory_space<hbm>>) target(%dma_start3A_8 : memref<128x64xf32, #tpu.memory_space<vmem>>) offsets(%dma_start3A_10 : memref<128xi32, #tpu.memory_space<vmem>>) semaphore(%arg8 : memref<!tpu.dma_semaphore, #tpu.memory_space<semaphore_mem>>)
    %dma_start3A_14 = arith.constant 0 : i32
    %dma_start3A_15 = arith.constant 128 : i32
    %dma_start3A_16 = arith.constant 0 : i32
    %dma_start3A_17 = tpu.memref_slice %arg6[%dma_start3A_14, %dma_start3A_15, %dma_start3A_16] : memref<2x200x64xf32, #tpu.memory_space<vmem>> -> memref<1x72x64xf32, #tpu.memory_space<vmem>>
    %dma_start3A_18 = tpu.memref_squeeze %dma_start3A_17 : memref<1x72x64xf32, #tpu.memory_space<vmem>> -> memref<72x64xf32, #tpu.memory_space<vmem>>
    %dma_start3A_19 = arith.constant 128 : i32
    %dma_start3A_20 = tpu.memref_slice %arg5[%dma_start3A_19] : memref<25600xi32, #tpu.memory_space<vmem>> -> memref<72xi32, #tpu.memory_space<vmem>>
    %dma_start3A_21 = arith.constant 0 : i32
    %dma_start3A_22 = arith.constant 0 : i32
    %dma_start3A_23 = tpu.memref_slice %arg3[%dma_start3A_21, %dma_start3A_22] : memref<1015808x64xf32, #tpu.memory_space<hbm>> -> memref<1015808x64xf32, #tpu.memory_space<hbm>>
    tpu.enqueue_indirect_dma source(%dma_start3A_23 : memref<1015808x64xf32, #tpu.memory_space<hbm>>) target(%dma_start3A_18 : memref<72x64xf32, #tpu.memory_space<vmem>>) offsets(%dma_start3A_20 : memref<72xi32, #tpu.memory_space<vmem>>) semaphore(%arg8 : memref<!tpu.dma_semaphore, #tpu.memory_space<semaphore_mem>>)
    %dma_start3A_24 = arith.constant 1 : i32
    %dma_start3A_25 = arith.constant 0 : i32
    %dma_start3A_26 = arith.constant 0 : i32
    %dma_start3A_27 = tpu.memref_slice %arg6[%dma_start3A_24, %dma_start3A_25, %dma_start3A_26] : memref<2x200x64xf32, #tpu.memory_space<vmem>> -> memref<1x128x64xf32, #tpu.memory_space<vmem>>
    %dma_start3A_28 = tpu.memref_squeeze %dma_start3A_27 : memref<1x128x64xf32, #tpu.memory_space<vmem>> -> memref<128x64xf32, #tpu.memory_space<vmem>>
    %dma_start3A_29 = arith.constant 200 : i32
    %dma_start3A_30 = tpu.memref_slice %arg5[%dma_start3A_29] : memref<25600xi32, #tpu.memory_space<vmem>> -> memref<128xi32, #tpu.memory_space<vmem>>
    %dma_start3A_31 = arith.constant 0 : i32
    %dma_start3A_32 = arith.constant 0 : i32
    %dma_start3A_33 = tpu.memref_slice %arg3[%dma_start3A_31, %dma_start3A_32] : memref<1015808x64xf32, #tpu.memory_space<hbm>> -> memref<1015808x64xf32, #tpu.memory_space<hbm>>
    tpu.enqueue_indirect_dma source(%dma_start3A_33 : memref<1015808x64xf32, #tpu.memory_space<hbm>>) target(%dma_start3A_28 : memref<128x64xf32, #tpu.memory_space<vmem>>) offsets(%dma_start3A_30 : memref<128xi32, #tpu.memory_space<vmem>>) semaphore(%arg9 : memref<!tpu.dma_semaphore, #tpu.memory_space<semaphore_mem>>)
    %dma_start3A_34 = arith.constant 1 : i32
    %dma_start3A_35 = arith.constant 128 : i32
    %dma_start3A_36 = arith.constant 0 : i32
    %dma_start3A_37 = tpu.memref_slice %arg6[%dma_start3A_34, %dma_start3A_35, %dma_start3A_36] : memref<2x200x64xf32, #tpu.memory_space<vmem>> -> memref<1x72x64xf32, #tpu.memory_space<vmem>>
    %dma_start3A_38 = tpu.memref_squeeze %dma_start3A_37 : memref<1x72x64xf32, #tpu.memory_space<vmem>> -> memref<72x64xf32, #tpu.memory_space<vmem>>
    %dma_start3A_39 = arith.constant 328 : i32
    %dma_start3A_40 = tpu.memref_slice %arg5[%dma_start3A_39] : memref<25600xi32, #tpu.memory_space<vmem>> -> memref<72xi32, #tpu.memory_space<vmem>>
    %dma_start3A_41 = arith.constant 0 : i32
    %dma_start3A_42 = arith.constant 0 : i32
    %dma_start3A_43 = tpu.memref_slice %arg3[%dma_start3A_41, %dma_start3A_42] : memref<1015808x64xf32, #tpu.memory_space<hbm>> -> memref<1015808x64xf32, #tpu.memory_space<hbm>>
    tpu.enqueue_indirect_dma source(%dma_start3A_43 : memref<1015808x64xf32, #tpu.memory_space<hbm>>) target(%dma_start3A_38 : memref<72x64xf32, #tpu.memory_space<vmem>>) offsets(%dma_start3A_40 : memref<72xi32, #tpu.memory_space<vmem>>) semaphore(%arg9 : memref<!tpu.dma_semaphore, #tpu.memory_space<semaphore_mem>>)
    %scan3A = arith.constant 0 : i32
    %scan3A_44 = arith.constant 0 : i32
    %scan3A_45 = arith.constant 64 : i32
    %scan3A_46 = arith.addi %scan3A_44, %scan3A_45 : i32
    %scan3A_47 = arith.constant 1 : i32
    scf.for %scan3A_51 = %scan3A_44 to %scan3A_46 step %scan3A_47  : i32 {
      %mul3A_52 = arith.constant 2 : i32
      %mul3A_53 = arith.muli %mul3A_52, %scan3A_51 : i32
      %add3A_54 = arith.constant 0 : i32
      %add3A_55 = arith.addi %mul3A_53, %add3A_54 : i32
      %dma_wait3A = arith.constant 0 : i32
      %dma_wait3A_56 = arith.constant 0 : i32
      %dma_wait3A_57 = arith.constant 0 : i32
      %dma_wait3A_58 = tpu.memref_slice %arg6[%dma_wait3A, %dma_wait3A_56, %dma_wait3A_57] : memref<2x200x64xf32, #tpu.memory_space<vmem>> -> memref<1x200x64xf32, #tpu.memory_space<vmem>>
      %dma_wait3A_59 = tpu.memref_squeeze %dma_wait3A_58 : memref<1x200x64xf32, #tpu.memory_space<vmem>> -> memref<200x64xf32, #tpu.memory_space<vmem>>
      %dma_wait3A_60 = arith.constant 0 : i32
      %dma_wait3A_61 = arith.constant 0 : i32
      %dma_wait3A_62 = tpu.memref_slice %arg3[%dma_wait3A_60, %dma_wait3A_61] : memref<1015808x64xf32, #tpu.memory_space<hbm>> -> memref<200x64xf32, #tpu.memory_space<hbm>>
      %dma_wait3A_63 = arith.constant 0 : i32
      %dma_wait3A_64 = arith.constant 0 : i32
      %dma_wait3A_65 = tpu.memref_slice %arg6[%dma_wait3A, %dma_wait3A_63, %dma_wait3A_64] : memref<2x200x64xf32, #tpu.memory_space<vmem>> -> memref<1x200x64xf32, #tpu.memory_space<vmem>>
      %dma_wait3A_66 = tpu.memref_squeeze %dma_wait3A_65 : memref<1x200x64xf32, #tpu.memory_space<vmem>> -> memref<200x64xf32, #tpu.memory_space<vmem>>
      %dma_wait3A_67 = arith.constant 0 : i32
      %dma_wait3A_68 = arith.constant 0 : i32
      %dma_wait3A_69 = tpu.memref_slice %arg3[%dma_wait3A_67, %dma_wait3A_68] : memref<1015808x64xf32, #tpu.memory_space<hbm>> -> memref<200x64xf32, #tpu.memory_space<hbm>>
      tpu.wait_dma2 semaphore(%arg8 : memref<!tpu.dma_semaphore, #tpu.memory_space<semaphore_mem>>) src(%dma_wait3A_69 : memref<200x64xf32, #tpu.memory_space<hbm>>) dst(%dma_wait3A_66 : memref<200x64xf32, #tpu.memory_space<vmem>>)
      %broadcast_in_dim3A = arith.constant 0.000000e+00 : f32
      %broadcast_in_dim3A_70 = vector.broadcast %broadcast_in_dim3A : f32 to vector<16xf32>
      %scan3A_71 = arith.constant 0 : i32
      %scan3A_72 = arith.constant 50 : i32
      %scan3A_73 = arith.addi %scan3A_71, %scan3A_72 : i32
      %scan3A_74 = arith.constant 1 : i32
      %scan3A_75:4 = scf.for %scan3A_176 = %scan3A_71 to %scan3A_73 step %scan3A_74 iter_args(%scan3A_177 = %broadcast_in_dim3A_70, %scan3A_178 = %broadcast_in_dim3A_70, %scan3A_179 = %broadcast_in_dim3A_70, %scan3A_180 = %broadcast_in_dim3A_70) -> (vector<16xf32>, vector<16xf32>, vector<16xf32>, vector<16xf32>)  : i32 {
        %mul3A_181 = arith.constant 4 : i32
        %mul3A_182 = arith.muli %scan3A_176, %mul3A_181 : i32
        %add3A_183 = arith.constant 0 : i32
        %add3A_184 = arith.addi %mul3A_182, %add3A_183 : i32
        %get3A = arith.constant 0 : i32
        %get3A_185 = arith.index_cast %get3A : i32 to index
        %get3A_186 = arith.index_cast %add3A_184 : i32 to index
        %get3A_187 = arith.constant 0 : index
        %get3A_188 = tpu.vector_load %arg6[%get3A_185, %get3A_186, %get3A_187] {strides = array<i32>} : memref<2x200x64xf32, #tpu.memory_space<vmem>>, vector<1x1x16xf32>,
        %get3A_189 = vector.shape_cast %get3A_188 : vector<1x1x16xf32> to vector<16xf32>
        %add3A_190 = arith.addf %scan3A_177, %get3A_189 : vector<16xf32>
        %get3A_191 = arith.constant 0 : i32
        %get3A_192 = arith.index_cast %get3A_191 : i32 to index
        %get3A_193 = arith.index_cast %add3A_184 : i32 to index
        %get3A_194 = arith.constant 16 : index
        %get3A_195 = tpu.vector_load %arg6[%get3A_192, %get3A_193, %get3A_194] {strides = array<i32>} : memref<2x200x64xf32, #tpu.memory_space<vmem>>, vector<1x1x16xf32>,
        %get3A_196 = vector.shape_cast %get3A_195 : vector<1x1x16xf32> to vector<16xf32>
        %add3A_197 = arith.addf %scan3A_178, %get3A_196 : vector<16xf32>
        %get3A_198 = arith.constant 0 : i32
        %get3A_199 = arith.index_cast %get3A_198 : i32 to index
        %get3A_200 = arith.index_cast %add3A_184 : i32 to index
        %get3A_201 = arith.constant 32 : index
        %get3A_202 = tpu.vector_load %arg6[%get3A_199, %get3A_200, %get3A_201] {strides = array<i32>} : memref<2x200x64xf32, #tpu.memory_space<vmem>>, vector<1x1x16xf32>,
        %get3A_203 = vector.shape_cast %get3A_202 : vector<1x1x16xf32> to vector<16xf32>
        %add3A_204 = arith.addf %scan3A_179, %get3A_203 : vector<16xf32>
        %get3A_205 = arith.constant 0 : i32
        %get3A_206 = arith.index_cast %get3A_205 : i32 to index
        %get3A_207 = arith.index_cast %add3A_184 : i32 to index
        %get3A_208 = arith.constant 48 : index
        %get3A_209 = tpu.vector_load %arg6[%get3A_206, %get3A_207, %get3A_208] {strides = array<i32>} : memref<2x200x64xf32, #tpu.memory_space<vmem>>, vector<1x1x16xf32>,
        %get3A_210 = vector.shape_cast %get3A_209 : vector<1x1x16xf32> to vector<16xf32>
        %add3A_211 = arith.addf %scan3A_180, %get3A_210 : vector<16xf32>
        %add3A_212 = arith.constant 1 : i32
        %add3A_213 = arith.addi %mul3A_182, %add3A_212 : i32
        %get3A_214 = arith.constant 0 : i32
        %get3A_215 = arith.index_cast %get3A_214 : i32 to index
        %get3A_216 = arith.index_cast %add3A_213 : i32 to index
        %get3A_217 = arith.constant 0 : index
        %get3A_218 = tpu.vector_load %arg6[%get3A_215, %get3A_216, %get3A_217] {strides = array<i32>} : memref<2x200x64xf32, #tpu.memory_space<vmem>>, vector<1x1x16xf32>,
        %get3A_219 = vector.shape_cast %get3A_218 : vector<1x1x16xf32> to vector<16xf32>
        %add3A_220 = arith.addf %add3A_190, %get3A_219 : vector<16xf32>
        %get3A_221 = arith.constant 0 : i32
        %get3A_222 = arith.index_cast %get3A_221 : i32 to index
        %get3A_223 = arith.index_cast %add3A_213 : i32 to index
        %get3A_224 = arith.constant 16 : index
        %get3A_225 = tpu.vector_load %arg6[%get3A_222, %get3A_223, %get3A_224] {strides = array<i32>} : memref<2x200x64xf32, #tpu.memory_space<vmem>>, vector<1x1x16xf32>,
        %get3A_226 = vector.shape_cast %get3A_225 : vector<1x1x16xf32> to vector<16xf32>
        %add3A_227 = arith.addf %add3A_197, %get3A_226 : vector<16xf32>
        %get3A_228 = arith.constant 0 : i32
        %get3A_229 = arith.index_cast %get3A_228 : i32 to index
        %get3A_230 = arith.index_cast %add3A_213 : i32 to index
        %get3A_231 = arith.constant 32 : index
        %get3A_232 = tpu.vector_load %arg6[%get3A_229, %get3A_230, %get3A_231] {strides = array<i32>} : memref<2x200x64xf32, #tpu.memory_space<vmem>>, vector<1x1x16xf32>,
        %get3A_233 = vector.shape_cast %get3A_232 : vector<1x1x16xf32> to vector<16xf32>
        %add3A_234 = arith.addf %add3A_204, %get3A_233 : vector<16xf32>
        %get3A_235 = arith.constant 0 : i32
        %get3A_236 = arith.index_cast %get3A_235 : i32 to index
        %get3A_237 = arith.index_cast %add3A_213 : i32 to index
        %get3A_238 = arith.constant 48 : index
        %get3A_239 = tpu.vector_load %arg6[%get3A_236, %get3A_237, %get3A_238] {strides = array<i32>} : memref<2x200x64xf32, #tpu.memory_space<vmem>>, vector<1x1x16xf32>,
        %get3A_240 = vector.shape_cast %get3A_239 : vector<1x1x16xf32> to vector<16xf32>
        %add3A_241 = arith.addf %add3A_211, %get3A_240 : vector<16xf32>
        %add3A_242 = arith.constant 2 : i32
        %add3A_243 = arith.addi %mul3A_182, %add3A_242 : i32
        %get3A_244 = arith.constant 0 : i32
        %get3A_245 = arith.index_cast %get3A_244 : i32 to index
        %get3A_246 = arith.index_cast %add3A_243 : i32 to index
        %get3A_247 = arith.constant 0 : index
        %get3A_248 = tpu.vector_load %arg6[%get3A_245, %get3A_246, %get3A_247] {strides = array<i32>} : memref<2x200x64xf32, #tpu.memory_space<vmem>>, vector<1x1x16xf32>,
        %get3A_249 = vector.shape_cast %get3A_248 : vector<1x1x16xf32> to vector<16xf32>
        %add3A_250 = arith.addf %add3A_220, %get3A_249 : vector<16xf32>
        %get3A_251 = arith.constant 0 : i32
        %get3A_252 = arith.index_cast %get3A_251 : i32 to index
        %get3A_253 = arith.index_cast %add3A_243 : i32 to index
        %get3A_254 = arith.constant 16 : index
        %get3A_255 = tpu.vector_load %arg6[%get3A_252, %get3A_253, %get3A_254] {strides = array<i32>} : memref<2x200x64xf32, #tpu.memory_space<vmem>>, vector<1x1x16xf32>,
        %get3A_256 = vector.shape_cast %get3A_255 : vector<1x1x16xf32> to vector<16xf32>
        %add3A_257 = arith.addf %add3A_227, %get3A_256 : vector<16xf32>
        %get3A_258 = arith.constant 0 : i32
        %get3A_259 = arith.index_cast %get3A_258 : i32 to index
        %get3A_260 = arith.index_cast %add3A_243 : i32 to index
        %get3A_261 = arith.constant 32 : index
        %get3A_262 = tpu.vector_load %arg6[%get3A_259, %get3A_260, %get3A_261] {strides = array<i32>} : memref<2x200x64xf32, #tpu.memory_space<vmem>>, vector<1x1x16xf32>,
        %get3A_263 = vector.shape_cast %get3A_262 : vector<1x1x16xf32> to vector<16xf32>
        %add3A_264 = arith.addf %add3A_234, %get3A_263 : vector<16xf32>
        %get3A_265 = arith.constant 0 : i32
        %get3A_266 = arith.index_cast %get3A_265 : i32 to index
        %get3A_267 = arith.index_cast %add3A_243 : i32 to index
        %get3A_268 = arith.constant 48 : index
        %get3A_269 = tpu.vector_load %arg6[%get3A_266, %get3A_267, %get3A_268] {strides = array<i32>} : memref<2x200x64xf32, #tpu.memory_space<vmem>>, vector<1x1x16xf32>,
        %get3A_270 = vector.shape_cast %get3A_269 : vector<1x1x16xf32> to vector<16xf32>
        %add3A_271 = arith.addf %add3A_241, %get3A_270 : vector<16xf32>
        %add3A_272 = arith.constant 3 : i32
        %add3A_273 = arith.addi %mul3A_182, %add3A_272 : i32
        %get3A_274 = arith.constant 0 : i32
        %get3A_275 = arith.index_cast %get3A_274 : i32 to index
        %get3A_276 = arith.index_cast %add3A_273 : i32 to index
        %get3A_277 = arith.constant 0 : index
        %get3A_278 = tpu.vector_load %arg6[%get3A_275, %get3A_276, %get3A_277] {strides = array<i32>} : memref<2x200x64xf32, #tpu.memory_space<vmem>>, vector<1x1x16xf32>,
        %get3A_279 = vector.shape_cast %get3A_278 : vector<1x1x16xf32> to vector<16xf32>
        %add3A_280 = arith.addf %add3A_250, %get3A_279 : vector<16xf32>
        %get3A_281 = arith.constant 0 : i32
        %get3A_282 = arith.index_cast %get3A_281 : i32 to index
        %get3A_283 = arith.index_cast %add3A_273 : i32 to index
        %get3A_284 = arith.constant 16 : index
        %get3A_285 = tpu.vector_load %arg6[%get3A_282, %get3A_283, %get3A_284] {strides = array<i32>} : memref<2x200x64xf32, #tpu.memory_space<vmem>>, vector<1x1x16xf32>,
        %get3A_286 = vector.shape_cast %get3A_285 : vector<1x1x16xf32> to vector<16xf32>
        %add3A_287 = arith.addf %add3A_257, %get3A_286 : vector<16xf32>
        %get3A_288 = arith.constant 0 : i32
        %get3A_289 = arith.index_cast %get3A_288 : i32 to index
        %get3A_290 = arith.index_cast %add3A_273 : i32 to index
        %get3A_291 = arith.constant 32 : index
        %get3A_292 = tpu.vector_load %arg6[%get3A_289, %get3A_290, %get3A_291] {strides = array<i32>} : memref<2x200x64xf32, #tpu.memory_space<vmem>>, vector<1x1x16xf32>,
        %get3A_293 = vector.shape_cast %get3A_292 : vector<1x1x16xf32> to vector<16xf32>
        %add3A_294 = arith.addf %add3A_264, %get3A_293 : vector<16xf32>
        %get3A_295 = arith.constant 0 : i32
        %get3A_296 = arith.index_cast %get3A_295 : i32 to index
        %get3A_297 = arith.index_cast %add3A_273 : i32 to index
        %get3A_298 = arith.constant 48 : index
        %get3A_299 = tpu.vector_load %arg6[%get3A_296, %get3A_297, %get3A_298] {strides = array<i32>} : memref<2x200x64xf32, #tpu.memory_space<vmem>>, vector<1x1x16xf32>,
        %get3A_300 = vector.shape_cast %get3A_299 : vector<1x1x16xf32> to vector<16xf32>
        %add3A_301 = arith.addf %add3A_271, %get3A_300 : vector<16xf32>
        scf.yield %add3A_280, %add3A_287, %add3A_294, %add3A_301 : vector<16xf32>, vector<16xf32>, vector<16xf32>, vector<16xf32>
      }
      %scan3A_76 = arith.constant 50 : i32
      %mul3A_77 = arith.constant 5.000000e-03 : f32
      %mul3A_78 = vector.broadcast %mul3A_77 : f32 to vector<16xf32>
      %mul3A_79 = arith.mulf %scan3A_75#0, %mul3A_78 : vector<16xf32>
      %swap3A = arith.index_cast %add3A_55 : i32 to index
      %swap3A_80 = arith.constant 0 : index
      %swap3A_81 = tpu.vector_load %arg7[%swap3A, %swap3A_80] {strides = array<i32>} : memref<128x64xf32, #tpu.memory_space<vmem>>, vector<1x16xf32>,
      %swap3A_82 = vector.shape_cast %swap3A_81 : vector<1x16xf32> to vector<16xf32>
      %swap3A_83 = vector.shape_cast %mul3A_79 : vector<16xf32> to vector<1x16xf32>
      tpu.vector_store %arg7[%swap3A, %swap3A_80], %swap3A_83 {strides = array<i32>} : memref<128x64xf32, #tpu.memory_space<vmem>>, vector<1x16xf32>,
      %mul3A_84 = arith.constant 5.000000e-03 : f32
      %mul3A_85 = vector.broadcast %mul3A_84 : f32 to vector<16xf32>
      %mul3A_86 = arith.mulf %scan3A_75#1, %mul3A_85 : vector<16xf32>
      %swap3A_87 = arith.index_cast %add3A_55 : i32 to index
      %swap3A_88 = arith.constant 16 : index
      %swap3A_89 = tpu.vector_load %arg7[%swap3A_87, %swap3A_88] {strides = array<i32>} : memref<128x64xf32, #tpu.memory_space<vmem>>, vector<1x16xf32>,
      %swap3A_90 = vector.shape_cast %swap3A_89 : vector<1x16xf32> to vector<16xf32>
      %swap3A_91 = vector.shape_cast %mul3A_86 : vector<16xf32> to vector<1x16xf32>
      tpu.vector_store %arg7[%swap3A_87, %swap3A_88], %swap3A_91 {strides = array<i32>} : memref<128x64xf32, #tpu.memory_space<vmem>>, vector<1x16xf32>,
      %mul3A_92 = arith.constant 5.000000e-03 : f32
      %mul3A_93 = vector.broadcast %mul3A_92 : f32 to vector<16xf32>
      %mul3A_94 = arith.mulf %scan3A_75#2, %mul3A_93 : vector<16xf32>
      %swap3A_95 = arith.index_cast %add3A_55 : i32 to index
      %swap3A_96 = arith.constant 32 : index
      %swap3A_97 = tpu.vector_load %arg7[%swap3A_95, %swap3A_96] {strides = array<i32>} : memref<128x64xf32, #tpu.memory_space<vmem>>, vector<1x16xf32>,
      %swap3A_98 = vector.shape_cast %swap3A_97 : vector<1x16xf32> to vector<16xf32>
      %swap3A_99 = vector.shape_cast %mul3A_94 : vector<16xf32> to vector<1x16xf32>
      tpu.vector_store %arg7[%swap3A_95, %swap3A_96], %swap3A_99 {strides = array<i32>} : memref<128x64xf32, #tpu.memory_space<vmem>>, vector<1x16xf32>,
      %mul3A_100 = arith.constant 5.000000e-03 : f32
      %mul3A_101 = vector.broadcast %mul3A_100 : f32 to vector<16xf32>
      %mul3A_102 = arith.mulf %scan3A_75#3, %mul3A_101 : vector<16xf32>
      %swap3A_103 = arith.index_cast %add3A_55 : i32 to index
      %swap3A_104 = arith.constant 48 : index
      %swap3A_105 = tpu.vector_load %arg7[%swap3A_103, %swap3A_104] {strides = array<i32>} : memref<128x64xf32, #tpu.memory_space<vmem>>, vector<1x16xf32>,
      %swap3A_106 = vector.shape_cast %swap3A_105 : vector<1x16xf32> to vector<16xf32>
      %swap3A_107 = vector.shape_cast %mul3A_102 : vector<16xf32> to vector<1x16xf32>
      tpu.vector_store %arg7[%swap3A_103, %swap3A_104], %swap3A_107 {strides = array<i32>} : memref<128x64xf32, #tpu.memory_space<vmem>>, vector<1x16xf32>,
      %add3A_108 = arith.constant 2 : i32
      %add3A_109 = arith.addi %add3A_55, %add3A_108 : i32
      %lt3A = arith.constant 128 : i32
      %lt3A_110 = arith.cmpi slt, %add3A_109, %lt3A : i32
      %convert_element_type3A = arith.extui %lt3A_110 : i1 to i32
      %cond3A = arith.constant 0 : i32
      %cond3A_111 = arith.cmpi ne, %convert_element_type3A, %cond3A : i32
      scf.if %cond3A_111 {
        %add3A_176 = arith.constant 2 : i32
        %add3A_177 = arith.addi %add3A_55, %add3A_176 : i32
        %mul3A_178 = arith.constant 200 : i32
        %mul3A_179 = arith.muli %add3A_177, %mul3A_178 : i32
        %dma_start3A_180 = arith.constant 0 : i32
        %dma_start3A_181 = arith.constant 0 : i32
        %dma_start3A_182 = arith.constant 0 : i32
        %dma_start3A_183 = tpu.memref_slice %arg6[%dma_start3A_180, %dma_start3A_181, %dma_start3A_182] : memref<2x200x64xf32, #tpu.memory_space<vmem>> -> memref<1x128x64xf32, #tpu.memory_space<vmem>>
        %dma_start3A_184 = tpu.memref_squeeze %dma_start3A_183 : memref<1x128x64xf32, #tpu.memory_space<vmem>> -> memref<128x64xf32, #tpu.memory_space<vmem>>
        %dma_start3A_185 = tpu.memref_slice %arg5[%mul3A_179] : memref<25600xi32, #tpu.memory_space<vmem>> -> memref<128xi32, #tpu.memory_space<vmem>>
        %dma_start3A_186 = arith.constant 0 : i32
        %dma_start3A_187 = arith.constant 0 : i32
        %dma_start3A_188 = tpu.memref_slice %arg3[%dma_start3A_186, %dma_start3A_187] : memref<1015808x64xf32, #tpu.memory_space<hbm>> -> memref<1015808x64xf32, #tpu.memory_space<hbm>>
        tpu.enqueue_indirect_dma source(%dma_start3A_188 : memref<1015808x64xf32, #tpu.memory_space<hbm>>) target(%dma_start3A_184 : memref<128x64xf32, #tpu.memory_space<vmem>>) offsets(%dma_start3A_185 : memref<128xi32, #tpu.memory_space<vmem>>) semaphore(%arg8 : memref<!tpu.dma_semaphore, #tpu.memory_space<semaphore_mem>>)
        %mul3A_189 = arith.constant 200 : i32
        %mul3A_190 = arith.muli %add3A_177, %mul3A_189 : i32
        %add3A_191 = arith.constant 128 : i32
        %add3A_192 = arith.addi %mul3A_190, %add3A_191 : i32
        %dma_start3A_193 = arith.constant 0 : i32
        %dma_start3A_194 = arith.constant 128 : i32
        %dma_start3A_195 = arith.constant 0 : i32
        %dma_start3A_196 = tpu.memref_slice %arg6[%dma_start3A_193, %dma_start3A_194, %dma_start3A_195] : memref<2x200x64xf32, #tpu.memory_space<vmem>> -> memref<1x72x64xf32, #tpu.memory_space<vmem>>
        %dma_start3A_197 = tpu.memref_squeeze %dma_start3A_196 : memref<1x72x64xf32, #tpu.memory_space<vmem>> -> memref<72x64xf32, #tpu.memory_space<vmem>>
        %dma_start3A_198 = tpu.memref_slice %arg5[%add3A_192] : memref<25600xi32, #tpu.memory_space<vmem>> -> memref<72xi32, #tpu.memory_space<vmem>>
        %dma_start3A_199 = arith.constant 0 : i32
        %dma_start3A_200 = arith.constant 0 : i32
        %dma_start3A_201 = tpu.memref_slice %arg3[%dma_start3A_199, %dma_start3A_200] : memref<1015808x64xf32, #tpu.memory_space<hbm>> -> memref<1015808x64xf32, #tpu.memory_space<hbm>>
        tpu.enqueue_indirect_dma source(%dma_start3A_201 : memref<1015808x64xf32, #tpu.memory_space<hbm>>) target(%dma_start3A_197 : memref<72x64xf32, #tpu.memory_space<vmem>>) offsets(%dma_start3A_198 : memref<72xi32, #tpu.memory_space<vmem>>) semaphore(%arg8 : memref<!tpu.dma_semaphore, #tpu.memory_space<semaphore_mem>>)
      } else {
      }
      %add3A_112 = arith.constant 1 : i32
      %add3A_113 = arith.addi %mul3A_53, %add3A_112 : i32
      %dma_wait3A_114 = arith.constant 1 : i32
      %dma_wait3A_115 = arith.constant 0 : i32
      %dma_wait3A_116 = arith.constant 0 : i32
      %dma_wait3A_117 = tpu.memref_slice %arg6[%dma_wait3A_114, %dma_wait3A_115, %dma_wait3A_116] : memref<2x200x64xf32, #tpu.memory_space<vmem>> -> memref<1x200x64xf32, #tpu.memory_space<vmem>>
      %dma_wait3A_118 = tpu.memref_squeeze %dma_wait3A_117 : memref<1x200x64xf32, #tpu.memory_space<vmem>> -> memref<200x64xf32, #tpu.memory_space<vmem>>
      %dma_wait3A_119 = arith.constant 0 : i32
      %dma_wait3A_120 = arith.constant 0 : i32
      %dma_wait3A_121 = tpu.memref_slice %arg3[%dma_wait3A_119, %dma_wait3A_120] : memref<1015808x64xf32, #tpu.memory_space<hbm>> -> memref<200x64xf32, #tpu.memory_space<hbm>>
      %dma_wait3A_122 = arith.constant 0 : i32
      %dma_wait3A_123 = arith.constant 0 : i32
      %dma_wait3A_124 = tpu.memref_slice %arg6[%dma_wait3A_114, %dma_wait3A_122, %dma_wait3A_123] : memref<2x200x64xf32, #tpu.memory_space<vmem>> -> memref<1x200x64xf32, #tpu.memory_space<vmem>>
      %dma_wait3A_125 = tpu.memref_squeeze %dma_wait3A_124 : memref<1x200x64xf32, #tpu.memory_space<vmem>> -> memref<200x64xf32, #tpu.memory_space<vmem>>
      %dma_wait3A_126 = arith.constant 0 : i32
      %dma_wait3A_127 = arith.constant 0 : i32
      %dma_wait3A_128 = tpu.memref_slice %arg3[%dma_wait3A_126, %dma_wait3A_127] : memref<1015808x64xf32, #tpu.memory_space<hbm>> -> memref<200x64xf32, #tpu.memory_space<hbm>>
      tpu.wait_dma2 semaphore(%arg9 : memref<!tpu.dma_semaphore, #tpu.memory_space<semaphore_mem>>) src(%dma_wait3A_128 : memref<200x64xf32, #tpu.memory_space<hbm>>) dst(%dma_wait3A_125 : memref<200x64xf32, #tpu.memory_space<vmem>>)
      %broadcast_in_dim3A_129 = arith.constant 0.000000e+00 : f32
      %broadcast_in_dim3A_130 = vector.broadcast %broadcast_in_dim3A_129 : f32 to vector<16xf32>
      %scan3A_131 = arith.constant 0 : i32
      %scan3A_132 = arith.constant 50 : i32
      %scan3A_133 = arith.addi %scan3A_131, %scan3A_132 : i32
      %scan3A_134 = arith.constant 1 : i32
      %scan3A_135:4 = scf.for %scan3A_176 = %scan3A_131 to %scan3A_133 step %scan3A_134 iter_args(%scan3A_177 = %broadcast_in_dim3A_130, %scan3A_178 = %broadcast_in_dim3A_130, %scan3A_179 = %broadcast_in_dim3A_130, %scan3A_180 = %broadcast_in_dim3A_130) -> (vector<16xf32>, vector<16xf32>, vector<16xf32>, vector<16xf32>)  : i32 {
        %mul3A_181 = arith.constant 4 : i32
        %mul3A_182 = arith.muli %scan3A_176, %mul3A_181 : i32
        %add3A_183 = arith.constant 0 : i32
        %add3A_184 = arith.addi %mul3A_182, %add3A_183 : i32
        %get3A = arith.constant 1 : i32
        %get3A_185 = arith.index_cast %get3A : i32 to index
        %get3A_186 = arith.index_cast %add3A_184 : i32 to index
        %get3A_187 = arith.constant 0 : index
        %get3A_188 = tpu.vector_load %arg6[%get3A_185, %get3A_186, %get3A_187] {strides = array<i32>} : memref<2x200x64xf32, #tpu.memory_space<vmem>>, vector<1x1x16xf32>,
        %get3A_189 = vector.shape_cast %get3A_188 : vector<1x1x16xf32> to vector<16xf32>
        %add3A_190 = arith.addf %scan3A_177, %get3A_189 : vector<16xf32>
        %get3A_191 = arith.constant 1 : i32
        %get3A_192 = arith.index_cast %get3A_191 : i32 to index
        %get3A_193 = arith.index_cast %add3A_184 : i32 to index
        %get3A_194 = arith.constant 16 : index
        %get3A_195 = tpu.vector_load %arg6[%get3A_192, %get3A_193, %get3A_194] {strides = array<i32>} : memref<2x200x64xf32, #tpu.memory_space<vmem>>, vector<1x1x16xf32>,
        %get3A_196 = vector.shape_cast %get3A_195 : vector<1x1x16xf32> to vector<16xf32>
        %add3A_197 = arith.addf %scan3A_178, %get3A_196 : vector<16xf32>
        %get3A_198 = arith.constant 1 : i32
        %get3A_199 = arith.index_cast %get3A_198 : i32 to index
        %get3A_200 = arith.index_cast %add3A_184 : i32 to index
        %get3A_201 = arith.constant 32 : index
        %get3A_202 = tpu.vector_load %arg6[%get3A_199, %get3A_200, %get3A_201] {strides = array<i32>} : memref<2x200x64xf32, #tpu.memory_space<vmem>>, vector<1x1x16xf32>,
        %get3A_203 = vector.shape_cast %get3A_202 : vector<1x1x16xf32> to vector<16xf32>
        %add3A_204 = arith.addf %scan3A_179, %get3A_203 : vector<16xf32>
        %get3A_205 = arith.constant 1 : i32
        %get3A_206 = arith.index_cast %get3A_205 : i32 to index
        %get3A_207 = arith.index_cast %add3A_184 : i32 to index
        %get3A_208 = arith.constant 48 : index
        %get3A_209 = tpu.vector_load %arg6[%get3A_206, %get3A_207, %get3A_208] {strides = array<i32>} : memref<2x200x64xf32, #tpu.memory_space<vmem>>, vector<1x1x16xf32>,
        %get3A_210 = vector.shape_cast %get3A_209 : vector<1x1x16xf32> to vector<16xf32>
        %add3A_211 = arith.addf %scan3A_180, %get3A_210 : vector<16xf32>
        %add3A_212 = arith.constant 1 : i32
        %add3A_213 = arith.addi %mul3A_182, %add3A_212 : i32
        %get3A_214 = arith.constant 1 : i32
        %get3A_215 = arith.index_cast %get3A_214 : i32 to index
        %get3A_216 = arith.index_cast %add3A_213 : i32 to index
        %get3A_217 = arith.constant 0 : index
        %get3A_218 = tpu.vector_load %arg6[%get3A_215, %get3A_216, %get3A_217] {strides = array<i32>} : memref<2x200x64xf32, #tpu.memory_space<vmem>>, vector<1x1x16xf32>,
        %get3A_219 = vector.shape_cast %get3A_218 : vector<1x1x16xf32> to vector<16xf32>
        %add3A_220 = arith.addf %add3A_190, %get3A_219 : vector<16xf32>
        %get3A_221 = arith.constant 1 : i32
        %get3A_222 = arith.index_cast %get3A_221 : i32 to index
        %get3A_223 = arith.index_cast %add3A_213 : i32 to index
        %get3A_224 = arith.constant 16 : index
        %get3A_225 = tpu.vector_load %arg6[%get3A_222, %get3A_223, %get3A_224] {strides = array<i32>} : memref<2x200x64xf32, #tpu.memory_space<vmem>>, vector<1x1x16xf32>,
        %get3A_226 = vector.shape_cast %get3A_225 : vector<1x1x16xf32> to vector<16xf32>
        %add3A_227 = arith.addf %add3A_197, %get3A_226 : vector<16xf32>
        %get3A_228 = arith.constant 1 : i32
        %get3A_229 = arith.index_cast %get3A_228 : i32 to index
        %get3A_230 = arith.index_cast %add3A_213 : i32 to index
        %get3A_231 = arith.constant 32 : index
        %get3A_232 = tpu.vector_load %arg6[%get3A_229, %get3A_230, %get3A_231] {strides = array<i32>} : memref<2x200x64xf32, #tpu.memory_space<vmem>>, vector<1x1x16xf32>,
        %get3A_233 = vector.shape_cast %get3A_232 : vector<1x1x16xf32> to vector<16xf32>
        %add3A_234 = arith.addf %add3A_204, %get3A_233 : vector<16xf32>
        %get3A_235 = arith.constant 1 : i32
        %get3A_236 = arith.index_cast %get3A_235 : i32 to index
        %get3A_237 = arith.index_cast %add3A_213 : i32 to index
        %get3A_238 = arith.constant 48 : index
        %get3A_239 = tpu.vector_load %arg6[%get3A_236, %get3A_237, %get3A_238] {strides = array<i32>} : memref<2x200x64xf32, #tpu.memory_space<vmem>>, vector<1x1x16xf32>,
        %get3A_240 = vector.shape_cast %get3A_239 : vector<1x1x16xf32> to vector<16xf32>
        %add3A_241 = arith.addf %add3A_211, %get3A_240 : vector<16xf32>
        %add3A_242 = arith.constant 2 : i32
        %add3A_243 = arith.addi %mul3A_182, %add3A_242 : i32
        %get3A_244 = arith.constant 1 : i32
        %get3A_245 = arith.index_cast %get3A_244 : i32 to index
        %get3A_246 = arith.index_cast %add3A_243 : i32 to index
        %get3A_247 = arith.constant 0 : index
        %get3A_248 = tpu.vector_load %arg6[%get3A_245, %get3A_246, %get3A_247] {strides = array<i32>} : memref<2x200x64xf32, #tpu.memory_space<vmem>>, vector<1x1x16xf32>,
        %get3A_249 = vector.shape_cast %get3A_248 : vector<1x1x16xf32> to vector<16xf32>
        %add3A_250 = arith.addf %add3A_220, %get3A_249 : vector<16xf32>
        %get3A_251 = arith.constant 1 : i32
        %get3A_252 = arith.index_cast %get3A_251 : i32 to index
        %get3A_253 = arith.index_cast %add3A_243 : i32 to index
        %get3A_254 = arith.constant 16 : index
        %get3A_255 = tpu.vector_load %arg6[%get3A_252, %get3A_253, %get3A_254] {strides = array<i32>} : memref<2x200x64xf32, #tpu.memory_space<vmem>>, vector<1x1x16xf32>,
        %get3A_256 = vector.shape_cast %get3A_255 : vector<1x1x16xf32> to vector<16xf32>
        %add3A_257 = arith.addf %add3A_227, %get3A_256 : vector<16xf32>
        %get3A_258 = arith.constant 1 : i32
        %get3A_259 = arith.index_cast %get3A_258 : i32 to index
        %get3A_260 = arith.index_cast %add3A_243 : i32 to index
        %get3A_261 = arith.constant 32 : index
        %get3A_262 = tpu.vector_load %arg6[%get3A_259, %get3A_260, %get3A_261] {strides = array<i32>} : memref<2x200x64xf32, #tpu.memory_space<vmem>>, vector<1x1x16xf32>,
        %get3A_263 = vector.shape_cast %get3A_262 : vector<1x1x16xf32> to vector<16xf32>
        %add3A_264 = arith.addf %add3A_234, %get3A_263 : vector<16xf32>
        %get3A_265 = arith.constant 1 : i32
        %get3A_266 = arith.index_cast %get3A_265 : i32 to index
        %get3A_267 = arith.index_cast %add3A_243 : i32 to index
        %get3A_268 = arith.constant 48 : index
        %get3A_269 = tpu.vector_load %arg6[%get3A_266, %get3A_267, %get3A_268] {strides = array<i32>} : memref<2x200x64xf32, #tpu.memory_space<vmem>>, vector<1x1x16xf32>,
        %get3A_270 = vector.shape_cast %get3A_269 : vector<1x1x16xf32> to vector<16xf32>
        %add3A_271 = arith.addf %add3A_241, %get3A_270 : vector<16xf32>
        %add3A_272 = arith.constant 3 : i32
        %add3A_273 = arith.addi %mul3A_182, %add3A_272 : i32
        %get3A_274 = arith.constant 1 : i32
        %get3A_275 = arith.index_cast %get3A_274 : i32 to index
        %get3A_276 = arith.index_cast %add3A_273 : i32 to index
        %get3A_277 = arith.constant 0 : index
        %get3A_278 = tpu.vector_load %arg6[%get3A_275, %get3A_276, %get3A_277] {strides = array<i32>} : memref<2x200x64xf32, #tpu.memory_space<vmem>>, vector<1x1x16xf32>,
        %get3A_279 = vector.shape_cast %get3A_278 : vector<1x1x16xf32> to vector<16xf32>
        %add3A_280 = arith.addf %add3A_250, %get3A_279 : vector<16xf32>
        %get3A_281 = arith.constant 1 : i32
        %get3A_282 = arith.index_cast %get3A_281 : i32 to index
        %get3A_283 = arith.index_cast %add3A_273 : i32 to index
        %get3A_284 = arith.constant 16 : index
        %get3A_285 = tpu.vector_load %arg6[%get3A_282, %get3A_283, %get3A_284] {strides = array<i32>} : memref<2x200x64xf32, #tpu.memory_space<vmem>>, vector<1x1x16xf32>,
        %get3A_286 = vector.shape_cast %get3A_285 : vector<1x1x16xf32> to vector<16xf32>
        %add3A_287 = arith.addf %add3A_257, %get3A_286 : vector<16xf32>
        %get3A_288 = arith.constant 1 : i32
        %get3A_289 = arith.index_cast %get3A_288 : i32 to index
        %get3A_290 = arith.index_cast %add3A_273 : i32 to index
        %get3A_291 = arith.constant 32 : index
        %get3A_292 = tpu.vector_load %arg6[%get3A_289, %get3A_290, %get3A_291] {strides = array<i32>} : memref<2x200x64xf32, #tpu.memory_space<vmem>>, vector<1x1x16xf32>,
        %get3A_293 = vector.shape_cast %get3A_292 : vector<1x1x16xf32> to vector<16xf32>
        %add3A_294 = arith.addf %add3A_264, %get3A_293 : vector<16xf32>
        %get3A_295 = arith.constant 1 : i32
        %get3A_296 = arith.index_cast %get3A_295 : i32 to index
        %get3A_297 = arith.index_cast %add3A_273 : i32 to index
        %get3A_298 = arith.constant 48 : index
        %get3A_299 = tpu.vector_load %arg6[%get3A_296, %get3A_297, %get3A_298] {strides = array<i32>} : memref<2x200x64xf32, #tpu.memory_space<vmem>>, vector<1x1x16xf32>,
        %get3A_300 = vector.shape_cast %get3A_299 : vector<1x1x16xf32> to vector<16xf32>
        %add3A_301 = arith.addf %add3A_271, %get3A_300 : vector<16xf32>
        scf.yield %add3A_280, %add3A_287, %add3A_294, %add3A_301 : vector<16xf32>, vector<16xf32>, vector<16xf32>, vector<16xf32>
      }
      %scan3A_136 = arith.constant 50 : i32
      %mul3A_137 = arith.constant 5.000000e-03 : f32
      %mul3A_138 = vector.broadcast %mul3A_137 : f32 to vector<16xf32>
      %mul3A_139 = arith.mulf %scan3A_135#0, %mul3A_138 : vector<16xf32>
      %swap3A_140 = arith.index_cast %add3A_113 : i32 to index
      %swap3A_141 = arith.constant 0 : index
      %swap3A_142 = tpu.vector_load %arg7[%swap3A_140, %swap3A_141] {strides = array<i32>} : memref<128x64xf32, #tpu.memory_space<vmem>>, vector<1x16xf32>,
      %swap3A_143 = vector.shape_cast %swap3A_142 : vector<1x16xf32> to vector<16xf32>
      %swap3A_144 = vector.shape_cast %mul3A_139 : vector<16xf32> to vector<1x16xf32>
      tpu.vector_store %arg7[%swap3A_140, %swap3A_141], %swap3A_144 {strides = array<i32>} : memref<128x64xf32, #tpu.memory_space<vmem>>, vector<1x16xf32>,
      %mul3A_145 = arith.constant 5.000000e-03 : f32
      %mul3A_146 = vector.broadcast %mul3A_145 : f32 to vector<16xf32>
      %mul3A_147 = arith.mulf %scan3A_135#1, %mul3A_146 : vector<16xf32>
      %swap3A_148 = arith.index_cast %add3A_113 : i32 to index
      %swap3A_149 = arith.constant 16 : index
      %swap3A_150 = tpu.vector_load %arg7[%swap3A_148, %swap3A_149] {strides = array<i32>} : memref<128x64xf32, #tpu.memory_space<vmem>>, vector<1x16xf32>,
      %swap3A_151 = vector.shape_cast %swap3A_150 : vector<1x16xf32> to vector<16xf32>
      %swap3A_152 = vector.shape_cast %mul3A_147 : vector<16xf32> to vector<1x16xf32>
      tpu.vector_store %arg7[%swap3A_148, %swap3A_149], %swap3A_152 {strides = array<i32>} : memref<128x64xf32, #tpu.memory_space<vmem>>, vector<1x16xf32>,
      %mul3A_153 = arith.constant 5.000000e-03 : f32
      %mul3A_154 = vector.broadcast %mul3A_153 : f32 to vector<16xf32>
      %mul3A_155 = arith.mulf %scan3A_135#2, %mul3A_154 : vector<16xf32>
      %swap3A_156 = arith.index_cast %add3A_113 : i32 to index
      %swap3A_157 = arith.constant 32 : index
      %swap3A_158 = tpu.vector_load %arg7[%swap3A_156, %swap3A_157] {strides = array<i32>} : memref<128x64xf32, #tpu.memory_space<vmem>>, vector<1x16xf32>,
      %swap3A_159 = vector.shape_cast %swap3A_158 : vector<1x16xf32> to vector<16xf32>
      %swap3A_160 = vector.shape_cast %mul3A_155 : vector<16xf32> to vector<1x16xf32>
      tpu.vector_store %arg7[%swap3A_156, %swap3A_157], %swap3A_160 {strides = array<i32>} : memref<128x64xf32, #tpu.memory_space<vmem>>, vector<1x16xf32>,
      %mul3A_161 = arith.constant 5.000000e-03 : f32
      %mul3A_162 = vector.broadcast %mul3A_161 : f32 to vector<16xf32>
      %mul3A_163 = arith.mulf %scan3A_135#3, %mul3A_162 : vector<16xf32>
      %swap3A_164 = arith.index_cast %add3A_113 : i32 to index
      %swap3A_165 = arith.constant 48 : index
      %swap3A_166 = tpu.vector_load %arg7[%swap3A_164, %swap3A_165] {strides = array<i32>} : memref<128x64xf32, #tpu.memory_space<vmem>>, vector<1x16xf32>,
      %swap3A_167 = vector.shape_cast %swap3A_166 : vector<1x16xf32> to vector<16xf32>
      %swap3A_168 = vector.shape_cast %mul3A_163 : vector<16xf32> to vector<1x16xf32>
      tpu.vector_store %arg7[%swap3A_164, %swap3A_165], %swap3A_168 {strides = array<i32>} : memref<128x64xf32, #tpu.memory_space<vmem>>, vector<1x16xf32>,
      %add3A_169 = arith.constant 2 : i32
      %add3A_170 = arith.addi %add3A_113, %add3A_169 : i32
      %lt3A_171 = arith.constant 128 : i32
      %lt3A_172 = arith.cmpi slt, %add3A_170, %lt3A_171 : i32
      %convert_element_type3A_173 = arith.extui %lt3A_172 : i1 to i32
      %cond3A_174 = arith.constant 0 : i32
      %cond3A_175 = arith.cmpi ne, %convert_element_type3A_173, %cond3A_174 : i32
      scf.if %cond3A_175 {
        %add3A_176 = arith.constant 2 : i32
        %add3A_177 = arith.addi %add3A_113, %add3A_176 : i32
        %mul3A_178 = arith.constant 200 : i32
        %mul3A_179 = arith.muli %add3A_177, %mul3A_178 : i32
        %dma_start3A_180 = arith.constant 1 : i32
        %dma_start3A_181 = arith.constant 0 : i32
        %dma_start3A_182 = arith.constant 0 : i32
        %dma_start3A_183 = tpu.memref_slice %arg6[%dma_start3A_180, %dma_start3A_181, %dma_start3A_182] : memref<2x200x64xf32, #tpu.memory_space<vmem>> -> memref<1x128x64xf32, #tpu.memory_space<vmem>>
        %dma_start3A_184 = tpu.memref_squeeze %dma_start3A_183 : memref<1x128x64xf32, #tpu.memory_space<vmem>> -> memref<128x64xf32, #tpu.memory_space<vmem>>
        %dma_start3A_185 = tpu.memref_slice %arg5[%mul3A_179] : memref<25600xi32, #tpu.memory_space<vmem>> -> memref<128xi32, #tpu.memory_space<vmem>>
        %dma_start3A_186 = arith.constant 0 : i32
        %dma_start3A_187 = arith.constant 0 : i32
        %dma_start3A_188 = tpu.memref_slice %arg3[%dma_start3A_186, %dma_start3A_187] : memref<1015808x64xf32, #tpu.memory_space<hbm>> -> memref<1015808x64xf32, #tpu.memory_space<hbm>>
        tpu.enqueue_indirect_dma source(%dma_start3A_188 : memref<1015808x64xf32, #tpu.memory_space<hbm>>) target(%dma_start3A_184 : memref<128x64xf32, #tpu.memory_space<vmem>>) offsets(%dma_start3A_185 : memref<128xi32, #tpu.memory_space<vmem>>) semaphore(%arg9 : memref<!tpu.dma_semaphore, #tpu.memory_space<semaphore_mem>>)
        %mul3A_189 = arith.constant 200 : i32
        %mul3A_190 = arith.muli %add3A_177, %mul3A_189 : i32
        %add3A_191 = arith.constant 128 : i32
        %add3A_192 = arith.addi %mul3A_190, %add3A_191 : i32
        %dma_start3A_193 = arith.constant 1 : i32
        %dma_start3A_194 = arith.constant 128 : i32
        %dma_start3A_195 = arith.constant 0 : i32
        %dma_start3A_196 = tpu.memref_slice %arg6[%dma_start3A_193, %dma_start3A_194, %dma_start3A_195] : memref<2x200x64xf32, #tpu.memory_space<vmem>> -> memref<1x72x64xf32, #tpu.memory_space<vmem>>
        %dma_start3A_197 = tpu.memref_squeeze %dma_start3A_196 : memref<1x72x64xf32, #tpu.memory_space<vmem>> -> memref<72x64xf32, #tpu.memory_space<vmem>>
        %dma_start3A_198 = tpu.memref_slice %arg5[%add3A_192] : memref<25600xi32, #tpu.memory_space<vmem>> -> memref<72xi32, #tpu.memory_space<vmem>>
        %dma_start3A_199 = arith.constant 0 : i32
        %dma_start3A_200 = arith.constant 0 : i32
        %dma_start3A_201 = tpu.memref_slice %arg3[%dma_start3A_199, %dma_start3A_200] : memref<1015808x64xf32, #tpu.memory_space<hbm>> -> memref<1015808x64xf32, #tpu.memory_space<hbm>>
        tpu.enqueue_indirect_dma source(%dma_start3A_201 : memref<1015808x64xf32, #tpu.memory_space<hbm>>) target(%dma_start3A_197 : memref<72x64xf32, #tpu.memory_space<vmem>>) offsets(%dma_start3A_198 : memref<72xi32, #tpu.memory_space<vmem>>) semaphore(%arg9 : memref<!tpu.dma_semaphore, #tpu.memory_space<semaphore_mem>>)
      } else {
      }
    }
    %scan3A_48 = arith.constant 64 : i32
    %mul3A_49 = arith.constant 128 : i32
    %mul3A_50 = arith.muli %add3A, %mul3A_49 : i32
    "tpu.region"() ({
      %run_scoped3A = tpu.sem_alloc : memref<!tpu.dma_semaphore, #tpu.memory_space<semaphore_mem>>
      %dma_start3A_51 = arith.constant 0 : i32
      %dma_start3A_52 = tpu.memref_slice %arg4[%mul3A_50, %dma_start3A_51] : memref<4096x64xf32, #tpu.memory_space<hbm>> -> memref<128x64xf32, #tpu.memory_space<hbm>>
      %dma_start3A_53 = arith.constant 0 : i32
      %dma_start3A_54 = tpu.memref_slice %arg4[%mul3A_50, %dma_start3A_53] : memref<4096x64xf32, #tpu.memory_space<hbm>> -> memref<128x64xf32, #tpu.memory_space<hbm>>
      tpu.enqueue_dma source(%arg7 : memref<128x64xf32, #tpu.memory_space<vmem>>) target(%dma_start3A_54 : memref<128x64xf32, #tpu.memory_space<hbm>>) target_semaphore(%run_scoped3A : memref<!tpu.dma_semaphore, #tpu.memory_space<semaphore_mem>>)
      %dma_wait3A = arith.constant 0 : i32
      %dma_wait3A_55 = tpu.memref_slice %arg4[%mul3A_50, %dma_wait3A] : memref<4096x64xf32, #tpu.memory_space<hbm>> -> memref<128x64xf32, #tpu.memory_space<hbm>>
      %dma_wait3A_56 = arith.constant 0 : i32
      %dma_wait3A_57 = tpu.memref_slice %arg4[%mul3A_50, %dma_wait3A_56] : memref<4096x64xf32, #tpu.memory_space<hbm>> -> memref<128x64xf32, #tpu.memory_space<hbm>>
      tpu.wait_dma2 semaphore(%run_scoped3A : memref<!tpu.dma_semaphore, #tpu.memory_space<semaphore_mem>>) src(%arg7 : memref<128x64xf32, #tpu.memory_space<vmem>>) dst(%dma_wait3A_57 : memref<128x64xf32, #tpu.memory_space<hbm>>)
      tpu.yield
    }) : () -> ()
    return
  }
}

module attributes {stable_mosaic.version = 14 : i64} {
  func.func @_table_relayout_body(%arg0: i32, %arg1: memref<64x16384xf32, #tpu.memory_space<vmem>>, %arg2: memref<8192x128xf32, #tpu.memory_space<vmem>>) attributes {dimension_semantics = [#tpu.dimension_semantics<arbitrary>], iteration_bounds = array<i64: 62>, scalar_prefetch = 0 : i64, scratch_operands = 0 : i64, tpu.core_type = #tpu.core_type<tc>, window_params = [{transform_indices = @transform_0, window_bounds = array<i64: 64, 16384>}, {transform_indices = @transform_1, window_bounds = array<i64: 8192, 128>}]} {
    %get3A = arith.constant 0 : index
    %get3A_0 = arith.constant 0 : index
    %get3A_1 = vector.load %arg1[%get3A, %get3A_0] : memref<64x16384xf32, #tpu.memory_space<vmem>>, vector<64x8192xf32>
    %transpose3A = tpu.transpose %get3A_1, [1, 0] : vector<64x8192xf32> -> vector<8192x64xf32>
    %swap3A = arith.constant 0 : index
    %swap3A_2 = arith.constant 0 : index
    %swap3A_3 = vector.load %arg2[%swap3A, %swap3A_2] : memref<8192x128xf32, #tpu.memory_space<vmem>>, vector<8192x64xf32>
    tpu.vector_store %arg2[%swap3A, %swap3A_2], %transpose3A {strides = array<i32>} : memref<8192x128xf32, #tpu.memory_space<vmem>>, vector<8192x64xf32>,
    %get3A_4 = arith.constant 0 : index
    %get3A_5 = arith.constant 8192 : index
    %get3A_6 = vector.load %arg1[%get3A_4, %get3A_5] : memref<64x16384xf32, #tpu.memory_space<vmem>>, vector<64x8192xf32>
    %transpose3A_7 = tpu.transpose %get3A_6, [1, 0] : vector<64x8192xf32> -> vector<8192x64xf32>
    %swap3A_8 = arith.constant 0 : index
    %swap3A_9 = arith.constant 64 : index
    %swap3A_10 = vector.load %arg2[%swap3A_8, %swap3A_9] : memref<8192x128xf32, #tpu.memory_space<vmem>>, vector<8192x64xf32>
    tpu.vector_store %arg2[%swap3A_8, %swap3A_9], %transpose3A_7 {strides = array<i32>} : memref<8192x128xf32, #tpu.memory_space<vmem>>, vector<8192x64xf32>,
    return
  }
  func.func @transform_0(%arg0: i32) -> (i32, i32) {
    %c0_i32 = arith.constant 0 : i32
    %c0_i32_0 = arith.constant 0 : i32
    return %c0_i32, %arg0 : i32, i32
  }
  func.func @transform_1(%arg0: i32) -> (i32, i32) {
    %c0_i32 = arith.constant 0 : i32
    %c0_i32_0 = arith.constant 0 : i32
    return %arg0, %c0_i32 : i32, i32
  }
}

module attributes {stable_mosaic.version = 14 : i64} {
  func.func @_dense_softmax_body(%arg0: memref<4096x64xf32, #tpu.memory_space<vmem>>, %arg1: memref<64x128xf32, #tpu.memory_space<vmem>>, %arg2: memref<1x128xf32, #tpu.memory_space<vmem>>, %arg3: memref<4096x128xf32, #tpu.memory_space<vmem>>) attributes {dimension_semantics = [], scalar_prefetch = 0 : i64, scratch_operands = 0 : i64, tpu.core_type = #tpu.core_type<tc>} {
    %get3A = arith.constant 0 : index
    %get3A_0 = arith.constant 0 : index
    %get3A_1 = vector.load %arg0[%get3A, %get3A_0] : memref<4096x64xf32, #tpu.memory_space<vmem>>, vector<4096x64xf32>
    %get3A_2 = arith.constant 0 : index
    %get3A_3 = arith.constant 0 : index
    %get3A_4 = vector.load %arg1[%get3A_2, %get3A_3] : memref<64x128xf32, #tpu.memory_space<vmem>>, vector<64x128xf32>
    %dot_general3A = arith.constant dense<0.000000e+00> : vector<4096x128xf32>
    %dot_general3A_5 = tpu.matmul %get3A_1, %get3A_4, %dot_general3A {dimension_numbers = #tpu.dot_dimension_numbers<[1], [0], [0], [1], [0, 0, 1, 1], [], []>, transpose_lhs_hint = false} : vector<4096x64xf32>, vector<64x128xf32>, vector<4096x128xf32> -> vector<4096x128xf32>
    %get3A_6 = arith.constant 0 : index
    %get3A_7 = arith.constant 0 : index
    %get3A_8 = vector.load %arg2[%get3A_6, %get3A_7] : memref<1x128xf32, #tpu.memory_space<vmem>>, vector<1x128xf32>
    %add3A = vector.broadcast %get3A_8 : vector<1x128xf32> to vector<4096x128xf32>
    %add3A_9 = arith.addf %dot_general3A_5, %add3A : vector<4096x128xf32>
    %reduce_max3A = arith.constant dense<0xFF800000> : vector<4096xf32>
    %reduce_max3A_10 = vector.multi_reduction <maximumf>, %add3A_9, %reduce_max3A [1] : vector<4096x128xf32> to vector<4096xf32>
    %broadcast_in_dim3A = vector.shape_cast %reduce_max3A_10 : vector<4096xf32> to vector<4096x1xf32>
    %sub3A = vector.broadcast %broadcast_in_dim3A : vector<4096x1xf32> to vector<4096x128xf32>
    %sub3A_11 = arith.subf %add3A_9, %sub3A : vector<4096x128xf32>
    %exp3A = math.exp %sub3A_11 : vector<4096x128xf32>
    %reduce_sum3A = arith.constant dense<0.000000e+00> : vector<4096xf32>
    %reduce_sum3A_12 = vector.multi_reduction <add>, %exp3A, %reduce_sum3A [1] : vector<4096x128xf32> to vector<4096xf32>
    %broadcast_in_dim3A_13 = vector.shape_cast %reduce_sum3A_12 : vector<4096xf32> to vector<4096x1xf32>
    %div3A = vector.broadcast %broadcast_in_dim3A_13 : vector<4096x1xf32> to vector<4096x128xf32>
    %div3A_14 = arith.divf %exp3A, %div3A : vector<4096x128xf32>
    %swap3A = arith.constant 0 : index
    %swap3A_15 = arith.constant 0 : index
    %swap3A_16 = vector.load %arg3[%swap3A, %swap3A_15] : memref<4096x128xf32, #tpu.memory_space<vmem>>, vector<4096x128xf32>
    tpu.vector_store %arg3[%swap3A, %swap3A_15], %div3A_14 {strides = array<i32>} : memref<4096x128xf32, #tpu.memory_space<vmem>>, vector<4096x128xf32>,
    return
  }
}

</mosaic_0001>

<sc_bundles>
// kernel: kernel.5.cloned.1.call-start
scs
__scs_entry_jumppad:
0x0: {  	(pc) =	sbr.rel $0x88, $3  }
0x1: {  	(tag) =	ssettag $0x0;
	lr =	simm.s32 $0x1  }
0x2: {  	[smem:$0x3F9D] =	sst lr;
	_ =	strace $0xD0000000  }
0x3: {  	_ = 	snop  }
0x4: {  	_ = 	snop  }
0x5: {  	_ = 	snop  }
0x6: {  	_ = 	snop  }
0x7: {  	_ = 	snop  }
__scs_overlays_trampoline_lowered:
0x8: {  	[smem:$0x3FAC] =	sst s0  }
0x9: {  	[smem:$0x3FAD] =	sst s1  }
0xa: {  	[smem:$0x3FAE] =	sst s2  }
0xb: {  	[smem:$0x3FAF] =	sst s3  }
0xc: {  	[smem:$0x3FB0] =	sst s4  }
0xd: {  	[smem:$0x3FB1] =	sst s5  }
0xe: {  	[smem:$0x3FB2] =	sst s6  }
0xf: {  	[smem:$0x3FB3] =	sst s7  }
0x10: {  	[smem:$0x3FB4] =	sst s8  }
0x11: {  	[smem:$0x3FB5] =	sst s9;
	s0 =	simm.s32 @!p0 $0x0  }
0x12: {  	s1 =	sld [smem:$0x3F9B];
	s0 =	simm.s32 @p0 $0x1  }
0x13: {  	[smem:$0x3FB6] =	sst s0;
	s0 =	simm.s32 @!p1 $0x0  }
0x14: {  	s2 =	sld [smem:$0x3F9A];
	s0 =	simm.s32 @p1 $0x1  }
0x15: {  	[smem:$0x3FB7] =	sst s0;
	s0 =	simm.s32 @!p2 $0x0  }
0x16: {  	s3 =	sld [smem:$0x3FDB];
	s0 =	simm.s32 @p2 $0x1  }
0x17: {  	s4 =	simm.s32 $0x1BF5;
	[smem:$0x3FB9] =	sst s0  }
0x18: {  	s0 =	sld [smem:$0x3F9C];
	_ =	swait.ge [sflag:s4], $0x0  }
0x19: {  	s7 =	sld [smem:$0x3F9D]  }
0x1a: {  	s8 =	sadd.s32 $0xFFFFE003, lr  }
0x1b: {  	s9 =	sadd.s32 $0xFFFFFEF7, lr;
	s5 =	simm.s32 $0xFFFFFFFF;
	p2 =	slt.u32 s8, $0xFFFFF086  }
0x1c: {  	p1 =	slt.u32 s9, $0xF7A;
	s5 =	simm.s32 @!p2 $0x0  }
0x1d: {  	s5 =	simm.s32 @p1 $0x1;
	p0 =	seq.s32 s7, s2  }
0x1e: {  	s7 =	smul.u32 @!p0 $0xF7A, s2;
	p2 =	seq.s32 @!p0 s5, $0x0  }
0x1f: {  	s9 =	smul.u32 $0xF7A, s1;
	s8 =	simm.s32 @!p0 $0x1BF5;
	p2 =	por !p2, p0  }
0x20: {  	[sflag:s8] =	ssyncset.s32 @!p0 $0xFFFFF086;
	s6 =	sadd.s32 @!p0 s3, s7;
	s7 =	simm.s32 @!p0 $0x108  }
0x21: {  	s3 =	sadd.s32 s3, s9;
	s6 =	sadd.s32 @!p0 $0x88, s6;
	s7 =	simm.s32 @p2 $0x1082  }
0x22: {  	[simem:s7], [sflag:s8] =	dma.local @!p0 [hbm:s6], $0xF7A  }
0x23: {  	s9 =	sor.u32 $0xD0000000, s2;
	s6 =	simm.s32 $0x108;
	_ =	swait.ge @!p0 [sflag:s8], $0x0  }
0x24: {  	s3 =	sadd.s32 $0x88, s3;
	s6 =	simm.s32 @!p1 $0x1082;
	[sflag:s4] =	ssyncset.s32 $0xFFFFF086  }
0x25: {  	[simem:s6], [sflag:s4] =	dma.local [hbm:s3], $0xF7A  }
0x26: {  	[smem:$0x3F9D] =	sst s1;
	(tag) =	ssettag s2;
	_ =	strace s9  }
0x27: {  	s1 =	sld [smem:$0x3FAD]  }
0x28: {  	s2 =	sld [smem:$0x3FAE]  }
0x29: {  	s4 =	sld [smem:$0x3FB0]  }
0x2a: {  	p0 =	seq.s32 s5, $0x0;
	s5 =	sld [smem:$0x3FB1]  }
0x2b: {  	s6 =	sld [smem:$0x3FB2]  }
0x2c: {  	s7 =	sld [smem:$0x3FB3]  }
0x2d: {  	s3 =	simm.s32 $0x108;
	s8 =	sld [smem:$0x3FB4]  }
0x2e: {  	s3 =	simm.s32 @!p0 $0x1082;
	s9 =	sld [smem:$0x3FB5]  }
0x2f: {  	lr =	sadd.s32 s0, s3;
	s0 =	sld [smem:$0x3FAC]  }
0x30: {  	s3 =	sld [smem:$0x3FAF]  }
0x31: {  	[smem:$0x3FB8] =	sst s10  }
0x32: {  	s10 =	sld [smem:$0x3FB6];
	_ =	sdelay $0x3  }
0x33: {  	p0 =	seq.s32 s10, $0x1;
	s10 =	sld [smem:$0x3FB8];
	_ =	sdelay $0x3  }
0x34: {  	[smem:$0x3FB8] =	sst s10  }
0x35: {  	s10 =	sld [smem:$0x3FB7];
	_ =	sdelay $0x3  }
0x36: {  	p1 =	seq.s32 s10, $0x1;
	s10 =	sld [smem:$0x3FB8];
	_ =	sdelay $0x3  }
0x37: {  	[smem:$0x3FB8] =	sst s10  }
0x38: {  	s10 =	sld [smem:$0x3FB9]  }
0x39: {  	_ = 	snop;
	(pc) =	sbr.ind lr, $3  }
0x3a: {  	_ = 	snop  }
0x3b: {  	_ = 	snop  }
0x3c: {  	p2 =	seq.s32 s10, $0x1;
	s10 =	sld [smem:$0x3FB8]  }
0x3d: {  	_ =	shalt  }
0x3e: {  	_ =	shalt  }
0x3f: {  	_ =	shalt  }
0x40: {  	_ =	shalt  }
0x41: {  	_ =	shalt  }
0x42: {  	_ =	shalt  }
0x43: {  	_ =	shalt  }
0x44: {  	_ =	shalt  }
0x45: {  	_ =	shalt  }
0x46: {  	_ =	shalt  }
0x47: {  	_ =	shalt  }
0x48: {  	_ =	shalt  }
0x49: {  	_ =	shalt  }
0x4a: {  	_ =	shalt  }
0x4b: {  	_ =	shalt  }
0x4c: {  	_ =	shalt  }
0x4d: {  	_ =	shalt  }
0x4e: {  	_ =	shalt  }
0x4f: {  	_ =	shalt  }
0x50: {  	_ =	shalt  }
0x51: {  	_ =	shalt  }
0x52: {  	_ =	shalt  }
0x53: {  	_ =	shalt  }
0x54: {  	_ =	shalt  }
0x55: {  	_ =	shalt  }
0x56: {  	_ =	shalt  }
0x57: {  	_ =	shalt  }
0x58: {  	_ =	shalt  }
0x59: {  	_ =	shalt  }
0x5a: {  	_ =	shalt  }
0x5b: {  	_ =	shalt  }
0x5c: {  	_ =	shalt  }
0x5d: {  	_ =	shalt  }
0x5e: {  	_ =	shalt  }
0x5f: {  	_ =	shalt  }
0x60: {  	_ =	shalt  }
0x61: {  	_ =	shalt  }
0x62: {  	_ =	shalt  }
0x63: {  	_ =	shalt  }
0x64: {  	_ =	shalt  }
0x65: {  	_ =	shalt  }
0x66: {  	_ =	shalt  }
0x67: {  	_ =	shalt  }
0x68: {  	_ =	shalt  }
0x69: {  	_ =	shalt  }
0x6a: {  	_ =	shalt  }
0x6b: {  	_ =	shalt  }
0x6c: {  	_ =	shalt  }
0x6d: {  	_ =	shalt  }
0x6e: {  	_ =	shalt  }
0x6f: {  	_ =	shalt  }
0x70: {  	_ =	shalt  }
0x71: {  	_ =	shalt  }
0x72: {  	_ =	shalt  }
0x73: {  	_ =	shalt  }
0x74: {  	_ =	shalt  }
0x75: {  	_ =	shalt  }
0x76: {  	_ =	shalt  }
0x77: {  	_ =	shalt  }
0x78: {  	_ =	shalt  }
0x79: {  	_ =	shalt  }
0x7a: {  	_ =	shalt  }
0x7b: {  	_ =	shalt  }
0x7c: {  	_ =	shalt  }
0x7d: {  	_ =	shalt  }
0x7e: {  	_ =	shalt  }
0x7f: {  	_ =	shalt  }
0x80: {  	_ =	shalt  }
0x81: {  	_ =	shalt  }
0x82: {  	_ =	shalt  }
0x83: {  	_ =	shalt  }
0x84: {  	_ =	shalt  }
0x85: {  	_ =	shalt  }
0x86: {  	_ =	shalt  }
0x87: {  	_ =	shalt  }
.Lfunc_end0:
.L_simem_size_0:
called_computation_lowered:
.L_overlay_start_0:
0x88: {  	s2 =	sld [smem:$0x3FD9]  }
0x89: {  	s3 =	sld [smem:$0x3FFE];
	_ =	sdelay $0x1  }
0x8a: {  	s1 =	srdreg.scid  }
0x8b: {  	s0 =	sand.u32 $0x1, s1  }
0x8c: {  	s16 =	sshll.u32 s0, $0xA;
	s2 =	sadd.s32 s3, s2  }
0x8d: {  	s2 =	sadd.s32 s2, s16  }
0x8e: {  	[smem:$0x3FC4] =	sst s2  }
0x8f: {  	_ = 	snop  }
0x90: {  	(tm) =	ssettm $0x1  }
0x91: {  	s17 =	sld [smem:$0x3FFB];
	_ =	sdelay $0x3  }
0x92: {  	_ =	strace s17  }
0x93: {  	s2 =	sld [smem:$0x3FFC];
	_ =	sdelay $0x3  }
0x94: {  	_ =	strace s2  }
0x95: {  	s2 =	sld [smem:$0x3FFD];
	_ =	sdelay $0x3  }
0x96: {  	_ =	strace s2  }
0x97: {  	_ =	strace $0x8FFFFFFF  }
0x98: {  	s18 =	sld [smem:$0x3FDB];
	_ =	sdelay $0x1  }
0x99: {  	s19 =	simm.s32 $_scs_section_size  }
0x9a: {  	s4 =	simm.s32 $_size__tile_overlayer_lowered;
	s5 =	simm.s32 $_tile_overlayer_lowered  }
0x9b: {  	s22 =	simm.s32 $0x1BFF;
	s21 =	sshll.u32 s5, $0x1;
	s2 =	sadd.s32 s19, s18  }
0x9c: {  	s6 =	simm.s32 $0x0;
	s20 =	sshll.u32 s4, $0x1;
	s4 =	sadd.s32 s21, s2  }
0x9d: {  	[timem:s6], [sflag:s22] =	dma.local [hbm:s4], s20  }
0x9e: {  	_ =	swait.ge [sflag:s22], s20  }
0x9f: {  	s3 =	ssub.s32 $0x0, s20;
	[sflag:s22] =	ssyncset.done $0x0  }
0xa0: {  	[sflag:s22] =	ssyncadd.s32 s3;
	_ =	sdelay $0x1  }
0xa1: {  	s23 =	simm.s32 $0x1B8B  }
0xa2: {  	_ =	swait.ge [sflag:s23], $0x1  }
0xa3: {  	[sflag:s23] =	ssyncset.done $0x0  }
0xa4: {  	s25 =	simm.s32 $0x1B8E;
	s24 =	sld [smem:$0x3FFE];
	[sflag:s23] =	ssyncadd.s32 $0xFFFFFFFF  }
0xa5: {  	s26 =	simm.s32 $execute0_lowered;
	[smem:$0x3FD2] =	sst s25  }
0xa6: {  	s4 =	sshll.u32 s26, $0x1;
	_ =	strace $0x80000046;
	[dreg:$0x1] =	wrdreg $0xFFFFFFFF  }
0xa7: {  	s28 =	simm.s32 $_size_execute0_lowered;
	s2 =	sadd.s32 s2, s4;
	[dreg:$0x0] =	wrdreg $0x0  }
0xa8: {  	s4 =	sshll.u32 s28, $0x1;
	[dreg:$0x2] =	wrdreg s2  }
0xa9: {  	[dreg:$0x3] =	wrdreg s4  }
0xaa: {  	[dreg:$0x4] =	wrdreg $0xC0  }
0xab: {  	_ =	task [dreg:s6], $0x5FFFF  }
0xac: {  	[dreg:$0x1] =	wrdreg $0xFFFFFFFF  }
0xad: {  	[dreg:$0x0] =	wrdreg $0x60  }
0xae: {  	[dreg:$0x2] =	wrdreg s24  }
0xaf: {  	[dreg:$0x3] =	wrdreg $0x9  }
0xb0: {  	_ =	task.clear_ibuf [dreg:s6], $0x4FFFF;
	_ =	strace $0x90000046  }
0xb1: {  	s29 =	simm.s32 $0x9;
	_ =	strace $0x80000048  }
0xb2: {  	_ =	swait.ge [sflag:s29], $0x1  }
0xb3: {  	[sflag:s29] =	ssyncadd.s32 $0xFFFFFFFF  }
0xb4: {  	_ =	strace $0x90000048  }
0xb5: {  	_ =	sfence  }
0xb6: {  	s30 =	sld [smem:$0x0];
	_ =	sdelay $0x2  }
0xb7: {  	s31 =	sshll.u32 s1, $0xD;
	s1 =	sshrl.u32 s1, $0x2  }
0xb8: {  	s3 =	sand.u32 $0x4000, s31;
	s1 =	sadd.s32 s1, s30  }
0xb9: {  	s0 =	sor.u32 s3, s0;
	s1 =	sshll.u32 s1, $0x11  }
0xba: {  	s0 =	sor.u32 s1, s0  }
0xbb: {  	s0 =	sadd.s32 $0x8F2B, s0  }
0xbc: {  	[sflag:s0] =	ssyncadd.remote.s32 $0x1  }
0xbd: {  	_ =	sfence.sel $0xFFFF  }
0xbe: {  	[dreg:$0x0] =	wrdreg $0xFFFFFFFF;
	(pc) =	sbr.abs _section_cstart, $3  }
0xbf: {  	[dreg:$0x1] =	wrdreg $0xFFFFFFFF  }
0xc0: {  	_ =	task.clear_ibuf [dreg:s6], $0x2FFFF;
	_ =	strace $0x9FFFFFFF  }
0xc1: {  	(tm) =	ssettm $0x7FFFFFFF  }
tec
execute0_lowered:
.L_overlay_start_1:
0x0: {  	(tag) =	ssettag $0x1  }
0x1: {  	s1 =	srdreg.scid;
	s0 =	stileid.u32  }
0x2: {  	s4 =	rddreg [dreg:$0x0];
	s2 =	simm.s32 $0x0;
	s9 =	simm.s32 $0x6400  }
0x3: {  	s10 =	simm.s32 $0x48;
	s11 =	simm.s32 $0x8400;
	s12 =	simm.s32 $0xC8  }
0x4: {  	s13 =	simm.s32 $0x9600;
	s14 =	simm.s32 $0x148;
	s15 =	simm.s32 $0xB600  }
0x5: {  	s16 =	simm.s32 $0x1;
	s17 =	simm.s32 $0x2;
	s18 =	simm.s32 $0xC800  }
0x6: {  	s3 =	sand.u32 $0x1, s1;
	s31 =	sshll.u32 s0, $0x1;
	s1 =	rddreg [dreg:$0x1]  }
0x7: {  	s19 =	simm.s32 $0x0;
	[smem:$0x7FF] =	sst s2;
	s5 =	sor.u32 s3, s31  }
.Ltmp0:
0x8: {  	_ =	strace $0x80000047;
	s7 =	ssub.s32 $0x2, s3;
	(pc) =	sbr.rel .LBB2_1-.Ltmp0, $4  }
0x9: {  	s6 =	smul.u32 $0xC80, s5;
	s5 =	sshll.u32 s5, $0xA;
	s8 =	sshrl.u32 s7, $0x1  }
0xa: {  	s3 =	sadd.s32 $0x19400, s4;
	s5 =	sadd.s32 s5, s4;
	s7 =	ssub.s32 s7, s8  }
0xb: {  	s8 =	simm.s32 $0x80;
	s6 =	sadd.s32 s6, s4;
	s5 =	sadd.s32 $0x7D9400, s5  }
0xc: {  	s4 =	sadd.s32 $0x400, s6;
	s6 =	smax.u32 s7, $0x1;
	s7 =	simm.s32 $0x3  }
.LBB2_8:
0xd: {  	s19 =	sadd.s32 $0x1, s19  }
0xe: {  	p0 =	sne.s32 s19, s6  }
.Ltmp1:
0xf: {  	_ = 	snop;
	(pc) =	sbr.rel @!p0 .LBB2_9-.Ltmp1, $4  }
0x10: {  	[hbm4b:s5+s2] =	stream.linear.scatter [tilespmem:s18], [sflag:$0x3], $0x2000, $0x38;
	[tilespmem:$0xE800] =	vst v63  }
0x11: {  	_ =	swait.ge [sflag:s7], $0x2000  }
0x12: {  	[sflag:s7] =	ssyncset.done $0x0  }
0x13: {  	[sflag:s7] =	ssyncadd.s32 $0xFFFFE000  }
.LBB2_1:
0x14: {  	[tilespmem:s2], [sflag:$0x3] =	stream.linear.gather [hbm4b:s4+s2], $0x6400, $0x38;
	[tilespmem:$0xE800] =	vst v63  }
0x15: {  	_ =	swait.ge [sflag:s7], $0x6400  }
0x16: {  	[sflag:s7] =	ssyncset.done $0x0  }
0x17: {  	[sflag:s7] =	ssyncadd.s32 $0xFFFF9C00  }
0x18: {  	[tilespmem:s9], [sflag:$0x1] =	stream.indirect.gather [hbm4b:s3+s8], $0x40, s2, s8, $0xb8;
	[tilespmem:$0xE800] =	vst v63  }
0x19: {  	_ = 	snop  }
0x1a: {  	[tilespmem:s11], [sflag:$0x1] =	stream.indirect.gather [hbm4b:s3+s10], $0x40, s8, s10, $0xb8;
	[tilespmem:$0xE800] =	vst v63  }
0x1b: {  	_ = 	snop  }
0x1c: {  	[tilespmem:s13], [sflag:$0x2] =	stream.indirect.gather [hbm4b:s3+s8], $0x40, s12, s8, $0xb8;
	[tilespmem:$0xE800] =	vst v63  }
0x1d: {  	s20 =	simm.s32 $0x0  }
0x1e: {  	[tilespmem:s15], [sflag:$0x2] =	stream.indirect.gather [hbm4b:s3+s10], $0x40, s14, s10, $0xb8;
	[tilespmem:$0xE800] =	vst v63  }
.LBB2_2:
0x1f: {  	_ =	swait.ge [sflag:s16], $0x3200  }
0x20: {  	[sflag:s16] =	ssyncset.done $0x0  }
0x21: {  	s21 =	simm.s32 $0x0;
	[sflag:s16] =	ssyncadd.s32 $0xFFFFCE00  }
0x22: {  	v0 =	vld [tilespmem:s21+$0x64C0]  }
0x23: {  	v1 =	vld [tilespmem:s21+$0x64D0]  }
0x24: {  	v2 =	vld [tilespmem:s21+$0x6480]  }
0x25: {  	v3 =	vld [tilespmem:s21+$0x6490]  }
0x26: {  	v4 =	vld [tilespmem:s21+$0x6440]  }
0x27: {  	v5 =	vld [tilespmem:s21+$0x6450]  }
0x28: {  	v10 =	vld [tilespmem:s21+$0x6400]  }
0x29: {  	v6 =	vimm.f32 $0.0e+00;
	v12 =	vld [tilespmem:s21+$0x6410]  }
0x2a: {  	s22 =	simm.s32 $0x400;
	v9 =	vimm.f32 $0.0e+00;
	v8 =	vimm.f32 $0.0e+00;
	v7 =	vimm.f32 $0.0e+00;
	v11 =	vld [tilespmem:s21+$0x6420]  }
.LBB2_3:
0x2b: {  	p0 =	sne.s32 s22, $0xC400;
	v13 =	vld [tilespmem:s21+$0x6430]  }
0x2c: {  	v14 =	vld [tilespmem:s21+$0x6460]  }
0x2d: {  	v15 =	vld [tilespmem:s21+$0x6470]  }
0x2e: {  	v16 =	vld [tilespmem:s21+$0x64A0]  }
0x2f: {  	v6 =	vadd.f32 v10, v6;
	v9 =	vadd.f32 v12, v9;
	v10 =	vld [tilespmem:s21+$0x64B0]  }
0x30: {  	v8 =	vadd.f32 v11, v8;
	v7 =	vadd.f32 v13, v7;
	v11 =	vld [tilespmem:s21+$0x64E0]  }
0x31: {  	v4 =	vadd.f32 v4, v6;
	v5 =	vadd.f32 v5, v9;
	v12 =	vld [tilespmem:s21+$0x64F0];
	s21 =	sshra.s32 s22, $0x2  }
0x32: {  	v6 =	vadd.f32 v14, v8;
	v13 =	vld [tilespmem:s21+$0x64C0];
	v7 =	vadd.f32 v15, v7  }
0x33: {  	v4 =	vadd.f32 v2, v4;
	v5 =	vadd.f32 v3, v5;
	v14 =	vld [tilespmem:s21+$0x64D0]  }
0x34: {  	v8 =	vadd.f32 v16, v6;
	v2 =	vld [tilespmem:s21+$0x6480];
	v7 =	vadd.f32 v10, v7  }
0x35: {  	v6 =	vadd.f32 v0, v4;
	v9 =	vadd.f32 v1, v5;
	v3 =	vld [tilespmem:s21+$0x6490]  }
.Ltmp2:
0x36: {  	v8 =	vadd.f32 v11, v8;
	v4 =	vld [tilespmem:s21+$0x6440];
	v7 =	vadd.f32 v12, v7;
	(pc) =	sbr.rel @p0 .LBB2_3-.Ltmp2, $4  }
0x37: {  	v5 =	vld [tilespmem:s21+$0x6450];
	v0 =	vmov v13  }
0x38: {  	v10 =	vld [tilespmem:s21+$0x6400];
	v1 =	vmov v14  }
0x39: {  	v12 =	vld [tilespmem:s21+$0x6410]  }
0x3a: {  	s22 =	sadd.s32 $0x400, s22;
	v11 =	vld [tilespmem:s21+$0x6420]  }
0x3b: {  	v13 =	vld [tilespmem:s21+$0x6430]  }
0x3c: {  	v14 =	vld [tilespmem:s21+$0x6460]  }
0x3d: {  	v15 =	vld [tilespmem:s21+$0x6470];
	v6 =	vadd.f32 v10, v6  }
0x3e: {  	v10 =	vld [tilespmem:s21+$0x64A0];
	v9 =	vadd.f32 v12, v9  }
0x3f: {  	v12 =	vld [tilespmem:s21+$0x64B0];
	v8 =	vadd.f32 v11, v8;
	v4 =	vadd.f32 v4, v6  }
0x40: {  	v6 =	vadd.f32 v13, v7;
	v7 =	vld [tilespmem:s21+$0x64E0];
	v5 =	vadd.f32 v5, v9  }
0x41: {  	v9 =	vld [tilespmem:s21+$0x64F0];
	v8 =	vadd.f32 v14, v8;
	v2 =	vadd.f32 v2, v4  }
0x42: {  	v4 =	vadd.f32 v15, v6;
	v3 =	vadd.f32 v3, v5  }
0x43: {  	v5 =	vadd.f32 v10, v8;
	v0 =	vadd.f32 v0, v2  }
0x44: {  	v2 =	vadd.f32 v12, v4;
	v1 =	vadd.f32 v1, v3  }
0x45: {  	s31 =	sshll.u32 s20, $0x7;
	v3 =	vadd.f32 v7, v5;
	v0 =	vmul.f32 $4.999999890e-03, v0  }
0x46: {  	p0 =	seq.s32 s20, $0x3F;
	s21 =	sand.u32 $0x3FFFFF80, s31;
	v2 =	vadd.f32 v9, v2;
	v1 =	vmul.f32 $4.999999890e-03, v1  }
0x47: {  	s22 =	smul.u32 @!p0 $0x640, s20;
	[tilespmem:s21+$0xC800] =	vst v0;
	v0 =	vmul.f32 $4.999999890e-03, v3  }
0x48: {  	[tilespmem:s21+$0xC810] =	vst v1;
	v1 =	vmul.f32 $4.999999890e-03, v2  }
0x49: {  	s22 =	sshra.s32 @!p0 s22, $0x2;
	[tilespmem:s21+$0xC820] =	vst v0  }
0x4a: {  	s24 =	simm.s32 @!p0 $0x80;
	s25 =	simm.s32 @!p0 $0x6400;
	s23 =	sadd.s32 @!p0 $0x190, s22;
	[tilespmem:s21+$0xC830] =	vst v1  }
0x4b: {  	[tilespmem:s25], [sflag:$0x1] =	stream.indirect.gather @!p0 [hbm4b:s3+s24], $0x40, s23, s24, $0xb8;
	[tilespmem:$0xE800] =	vst v63  }
0x4c: {  	s22 =	sadd.s32 @!p0 $0x210, s22;
	s23 =	simm.s32 @!p0 $0x48;
	s24 =	simm.s32 @!p0 $0x8400  }
0x4d: {  	[tilespmem:s24], [sflag:$0x1] =	stream.indirect.gather @!p0 [hbm4b:s3+s23], $0x40, s22, s23, $0xb8;
	[tilespmem:$0xE800] =	vst v63  }
0x4e: {  	_ =	swait.ge [sflag:s17], $0x3200  }
0x4f: {  	[sflag:s17] =	ssyncset.done $0x0  }
0x50: {  	s22 =	simm.s32 $0x0;
	[sflag:s17] =	ssyncadd.s32 $0xFFFFCE00  }
0x51: {  	v0 =	vld [tilespmem:s22+$0x96C0]  }
0x52: {  	v1 =	vld [tilespmem:s22+$0x96D0]  }
0x53: {  	v2 =	vld [tilespmem:s22+$0x9680]  }
0x54: {  	v3 =	vld [tilespmem:s22+$0x9690]  }
0x55: {  	v4 =	vld [tilespmem:s22+$0x9640]  }
0x56: {  	v5 =	vld [tilespmem:s22+$0x9650]  }
0x57: {  	v10 =	vld [tilespmem:s22+$0x9600]  }
0x58: {  	v6 =	vimm.f32 $0.0e+00;
	v12 =	vld [tilespmem:s22+$0x9610]  }
0x59: {  	v8 =	vimm.f32 $0.0e+00;
	v7 =	vimm.f32 $0.0e+00;
	v9 =	vimm.f32 $0.0e+00;
	s23 =	simm.s32 $0x400;
	v11 =	vld [tilespmem:s22+$0x9620]  }
.LBB2_5:
0x5a: {  	p1 =	sne.s32 s23, $0xC400;
	v13 =	vld [tilespmem:s22+$0x9630]  }
0x5b: {  	v14 =	vld [tilespmem:s22+$0x9660]  }
0x5c: {  	v15 =	vld [tilespmem:s22+$0x9670]  }
0x5d: {  	v16 =	vld [tilespmem:s22+$0x96A0]  }
0x5e: {  	v6 =	vadd.f32 v10, v6;
	v9 =	vadd.f32 v12, v9;
	v10 =	vld [tilespmem:s22+$0x96B0]  }
0x5f: {  	v8 =	vadd.f32 v11, v8;
	v7 =	vadd.f32 v13, v7;
	v11 =	vld [tilespmem:s22+$0x96E0]  }
0x60: {  	v4 =	vadd.f32 v4, v6;
	v5 =	vadd.f32 v5, v9;
	v12 =	vld [tilespmem:s22+$0x96F0];
	s22 =	sshra.s32 s23, $0x2  }
0x61: {  	v6 =	vadd.f32 v14, v8;
	v13 =	vld [tilespmem:s22+$0x96C0];
	v7 =	vadd.f32 v15, v7  }
0x62: {  	v4 =	vadd.f32 v2, v4;
	v5 =	vadd.f32 v3, v5;
	v14 =	vld [tilespmem:s22+$0x96D0]  }
0x63: {  	v8 =	vadd.f32 v16, v6;
	v2 =	vld [tilespmem:s22+$0x9680];
	v7 =	vadd.f32 v10, v7  }
0x64: {  	v6 =	vadd.f32 v0, v4;
	v9 =	vadd.f32 v1, v5;
	v3 =	vld [tilespmem:s22+$0x9690]  }
.Ltmp3:
0x65: {  	v8 =	vadd.f32 v11, v8;
	v4 =	vld [tilespmem:s22+$0x9640];
	v7 =	vadd.f32 v12, v7;
	(pc) =	sbr.rel @p1 .LBB2_5-.Ltmp3, $4  }
0x66: {  	v5 =	vld [tilespmem:s22+$0x9650];
	v0 =	vmov v13  }
0x67: {  	v10 =	vld [tilespmem:s22+$0x9600];
	v1 =	vmov v14  }
0x68: {  	v12 =	vld [tilespmem:s22+$0x9610]  }
0x69: {  	s23 =	sadd.s32 $0x400, s23;
	v11 =	vld [tilespmem:s22+$0x9620]  }
0x6a: {  	v13 =	vld [tilespmem:s22+$0x9630]  }
0x6b: {  	v14 =	vld [tilespmem:s22+$0x9660]  }
0x6c: {  	v15 =	vld [tilespmem:s22+$0x9670];
	v6 =	vadd.f32 v10, v6  }
0x6d: {  	v53 =	vld [tilespmem:s22+$0x96A0];
	v9 =	vadd.f32 v12, v9  }
0x6e: {  	v54 =	vld [tilespmem:s22+$0x96B0];
	v8 =	vadd.f32 v11, v8;
	v4 =	vadd.f32 v4, v6  }
0x6f: {  	v56 =	vld [tilespmem:s22+$0x96E0];
	v55 =	vadd.f32 v13, v7;
	v5 =	vadd.f32 v5, v9  }
0x70: {  	v57 =	vld [tilespmem:s22+$0x96F0];
	v8 =	vadd.f32 v14, v8;
	v2 =	vadd.f32 v2, v4  }
0x71: {  	v58 =	vadd.f32 v15, v55;
	v3 =	vadd.f32 v3, v5  }
0x72: {  	v59 =	vadd.f32 v53, v8;
	v0 =	vadd.f32 v0, v2  }
0x73: {  	v60 =	vadd.f32 v54, v58;
	v1 =	vadd.f32 v1, v3  }
0x74: {  	v61 =	vadd.f32 v56, v59;
	v0 =	vmul.f32 $4.999999890e-03, v0  }
.Ltmp4:
0x75: {  	v2 =	vadd.f32 v57, v60;
	v1 =	vmul.f32 $4.999999890e-03, v1;
	(pc) =	sbr.rel @p0 .LBB2_8-.Ltmp4, $4  }
0x76: {  	[tilespmem:s21+$0xC840] =	vst v0;
	v62 =	vmul.f32 $4.999999890e-03, v61  }
0x77: {  	[tilespmem:s21+$0xC850] =	vst v1;
	v63 =	vmul.f32 $4.999999890e-03, v2  }
0x78: {  	[tilespmem:s21+$0xC860] =	vst v62  }
0x79: {  	[tilespmem:s21+$0xC870] =	vst v63  }
0x7a: {  	s21 =	smul.u32 $0x640, s20;
	_ =	sdelay $0x1  }
.Ltmp5:
0x7b: {  	s21 =	sshra.s32 s21, $0x2;
	(pc) =	sbr.rel .LBB2_2-.Ltmp5, $4  }
0x7c: {  	s22 =	sadd.s32 $0x258, s21  }
0x7d: {  	[tilespmem:s13], [sflag:$0x2] =	stream.indirect.gather [hbm4b:s3+s8], $0x40, s22, s8, $0xb8;
	[tilespmem:$0xE800] =	vst v63  }
0x7e: {  	s20 =	sadd.s32 $0x1, s20;
	s21 =	sadd.s32 $0x2D8, s21  }
0x7f: {  	[tilespmem:s15], [sflag:$0x2] =	stream.indirect.gather [hbm4b:s3+s10], $0x40, s21, s10, $0xb8;
	[tilespmem:$0xE800] =	vst v63  }
.LBB2_9:
0x80: {  	_ =	sfence.sel $0x180000  }
0x81: {  	[bflag:$0x0] =	sbarrier.arrive $0xFFFF  }
0x82: {  	p0 =	sne.s32 s0, $0x0;
	_ =	strace $0x90000047  }
0x83: {  	s0 =	sadd.s32 @!p0 $0x100000, s1;
	[bflag:$0x2] =	sbarrier.arrive $0xFFFF  }
0x84: {  	[sflag:s0] =	ssyncadd.tile.s32 @!p0 $0x1;
	_ =	shalt  }
.Lfunc_end2:
_tile_overlayer_lowered:
.L_overlay_start_2:
0x85: {  	(tag) =	ssettag $0x2  }
0x86: {  	s0 =	rddreg [dreg:$0x0];
	s2 =	stileid.u32  }
0x87: {  	s1 =	rddreg [dreg:$0x1];
	p0 =	sne.s32 s2, $0x0  }
0x88: {  	s3 =	rddreg [dreg:$0x2];
	[bflag:$0x3] =	sbarrier.arrive $0xFFFF;
	s2 =	simm.s32 @!p0 $0x1C03  }
0x89: {  	[timem:s3], [sflag:s2] =	dma.local @!p0 [hbm:s0], s1  }
0x8a: {  	s0 =	simm.s32 @!p0 $0x3  }
0x8b: {  	_ =	swait.ge @!p0 [sflag:s0], s1  }
0x8c: {  	s1 =	ssub.s32 @!p0 $0x0, s1;
	[sflag:s0] =	ssyncset.done @!p0 $0x0  }
0x8d: {  	[sflag:s0] =	ssyncadd.s32 @!p0 s1  }
0x8e: {  	[bflag:$0x3] =	sbarrier.arrive $0xFFFF  }
0x8f: {  	_ =	shalt  }

</sc_bundles>
